<compile_context>
chip_gen: v7x
topology: tpu7x:2x2x1
jax: 0.10.2.dev20260603
libtpu: 0.0.44.dev20260713+nightly
codegen_flags: <defaults>
</compile_context>

<pallas_src>
import functools

import jax
import jax.numpy as jnp
from jax import lax
from jax.experimental import pallas as pl
from jax.experimental.pallas import tpu as pltpu
from jax.experimental.pallas import tpu_sc as plsc

B, N, D = 64, 576, 768
S = 77
H = 256
K = 96
B_BLK = 8
CHUNK = 64
NCHUNK = B // CHUNK

_NC, _NS = 2, 16
_NW = _NC * _NS


def _scores_body(dv_ref, text_ref, w1_ref, b1_ref, w2_ref, key_ref):
    dv = dv_ref[...]
    ctx = jnp.mean(text_ref[...], axis=1)

    x1 = jax.lax.dot_general(
        dv.reshape(B_BLK * N, D), w1_ref[0:D, :],
        dimension_numbers=(((1,), (0,)), ((), ())),
        preferred_element_type=jnp.float32,
    ).reshape(B_BLK, N, H)
    x2 = jax.lax.dot_general(
        ctx, w1_ref[D:, :],
        dimension_numbers=(((1,), (0,)), ((), ())),
        preferred_element_type=jnp.float32,
    )
    h = jnp.maximum(x1 + x2[:, None, :] + b1_ref[...][None, None, :], 0.0)
    logits = jax.lax.dot_general(
        h.reshape(B_BLK * N, H), w2_ref[...],
        dimension_numbers=(((1,), (0,)), ((), ())),
        preferred_element_type=jnp.float32,
    ).reshape(B_BLK, N)

    ubits = lax.bitcast_convert_type(logits, jnp.uint32)
    neg = (ubits >> jnp.uint32(31)) == jnp.uint32(1)
    key_ref[...] = jnp.where(neg, ~ubits, ubits | jnp.uint32(0x80000000))


def _make_scores_call(c):
    base = c * (CHUNK // B_BLK)
    return pl.pallas_call(
        _scores_body,
        grid=(CHUNK // B_BLK,),
        in_specs=[
            pl.BlockSpec((B_BLK, N, D), lambda i: (i + base, 0, 0)),
            pl.BlockSpec((B_BLK, S, D), lambda i: (i + base, 0, 0)),
            pl.BlockSpec((D + D, H), lambda i: (0, 0)),
            pl.BlockSpec((H,), lambda i: (0,)),
            pl.BlockSpec((H, 1), lambda i: (0, 0)),
        ],
        out_specs=pl.BlockSpec((B_BLK, N), lambda i: (i, 0)),
        out_shape=jax.ShapeDtypeStruct((CHUNK, N), jnp.uint32),
    )


_scores_calls = [_make_scores_call(c) for c in range(NCHUNK)]


def _select_body(key_ref, idx_ref):
    ukey = key_ref[...]

    def srch(i, t):
        bit = lax.shift_left(jnp.uint32(1), jnp.uint32(31) - i.astype(jnp.uint32))
        cand = t | bit
        cnt = jnp.sum((ukey >= cand).astype(jnp.int32), axis=1, keepdims=True)
        return jnp.where(cnt >= K, cand, t)

    t = lax.fori_loop(0, 32, srch, jnp.zeros((CHUNK, 1), jnp.uint32))

    gt = ukey > t
    eq = ukey == t
    need = K - jnp.sum(gt.astype(jnp.int32), axis=1, keepdims=True)

    row_i = lax.broadcasted_iota(jnp.int32, (N, N), 0)
    col_j = lax.broadcasted_iota(jnp.int32, (N, N), 1)
    ut = (row_i <= col_j).astype(jnp.float32)

    tie_rank = jax.lax.dot_general(
        eq.astype(jnp.float32), ut,
        dimension_numbers=(((1,), (0,)), ((), ())),
        preferred_element_type=jnp.float32,
    )
    kept = gt | (eq & (tie_rank <= need.astype(jnp.float32)))
    csum = jax.lax.dot_general(
        kept.astype(jnp.float32), ut,
        dimension_numbers=(((1,), (0,)), ((), ())),
        preferred_element_type=jnp.float32,
    )

    jr = lax.broadcasted_iota(jnp.int32, (1, K, 1), 1)
    csum_i = csum.astype(jnp.int32)
    idx_ref[...] = jnp.sum((csum_i[:, None, :] <= jr).astype(jnp.int32), axis=2)


_select_call = pl.pallas_call(
    _select_body,
    in_specs=[pl.BlockSpec((CHUNK, N), lambda: (0, 0))],
    out_specs=pl.BlockSpec((CHUNK, K), lambda: (0, 0)),
    out_shape=jax.ShapeDtypeStruct((CHUNK, K), jnp.int32),
)

_ROWS_PER_W = CHUNK // _NW


def _sc_gather_body(c, dv_hbm, idx_hbm, reg_hbm, out_hbm, idx_v, gidx_v,
                    rows_v, reg_v, sem):
    wid = lax.axis_index("s") * _NC + lax.axis_index("c")
    pltpu.sync_copy(reg_hbm, reg_v)
    for rr in range(_ROWS_PER_W):
        r = wid * _ROWS_PER_W + rr
        pltpu.sync_copy(idx_hbm.at[pl.ds(r * K, K)], idx_v)
        for v in range(K // 16):
            gidx_v[pl.ds(v * 16, 16)] = (idx_v[pl.ds(v * 16, 16)]
                                         + (c * CHUNK + r) * N)
        pltpu.async_copy(dv_hbm.at[gidx_v], rows_v, sem).wait()
        pltpu.sync_copy(rows_v, out_hbm.at[r, pl.ds(0, K)])
        pltpu.sync_copy(reg_v, out_hbm.at[r, pl.ds(K, 1)])


@functools.lru_cache(maxsize=None)
def _sc_gather_call(c):
    return functools.partial(
        pl.kernel,
        mesh=plsc.VectorSubcoreMesh(core_axis_name="c", subcore_axis_name="s"),
        compiler_params=pltpu.CompilerParams(use_tc_tiling_on_sc=True),
        out_type=jax.ShapeDtypeStruct((CHUNK, K + 1, D), jnp.float32),
        scratch_types=[
            pltpu.VMEM((K,), jnp.int32),
            pltpu.VMEM((K,), jnp.int32),
            pltpu.VMEM((K, D), jnp.float32),
            pltpu.VMEM((1, D), jnp.float32),
            pltpu.SemaphoreType.DMA,
        ],
    )(functools.partial(_sc_gather_body, c))


def kernel(dense_visual, text_embedding, W1, b1, W2, b2, register_token):
    del b2
    reg = register_token.reshape(1, D)
    dv_flat = dense_visual.reshape(B * N, D)
    finals, idxs = [], []
    for c in range(NCHUNK):
        ukey = _scores_calls[c](dense_visual, text_embedding, W1, b1, W2)
        top_idx = _select_call(ukey)
        fin = _sc_gather_call(c)(
            dv_flat,
            top_idx.reshape(CHUNK * K),
            reg,
        )
        finals.append(fin)
        idxs.append(top_idx)
    if NCHUNK == 1:
        return finals[0], idxs[0]
    return (jnp.concatenate(finals, axis=0), jnp.concatenate(idxs, axis=0))

# --- scband reference (transcript-rebuilt; emitter-appended) ---
"""Pipeline reference for scband-organelle-thalamus-83519934038252 (READ-ONLY COPY).

The authoritative reference and input builder live on the scoring server;
editing this copy changes nothing except your own understanding.
"""

import jax, jax.numpy as jnp
import numpy as np


def setup_inputs(seed: int = 0) -> dict:
    key = jax.random.key(seed)
    ks = jax.random.split(key, 6)
    B, N, D = 64, 576, 768
    S = 77
    dense_visual = jax.random.normal(ks[0], (B, N, D), dtype=jnp.float32)
    text_embedding = jax.random.normal(ks[1], (B, S, D), dtype=jnp.float32)
    d_in = D + 768
    W1 = jax.random.normal(ks[2], (d_in, 256), dtype=jnp.float32) * (1.0 / np.sqrt(d_in))
    b1 = jnp.zeros((256,), dtype=jnp.float32)
    W2 = jax.random.normal(ks[3], (256, 1), dtype=jnp.float32) * (1.0 / np.sqrt(256))
    b2 = jnp.zeros((1,), dtype=jnp.float32)
    register_token = jax.random.normal(ks[4], (1, 1, D), dtype=jnp.float32) * 0.02
    return {
        "dense_visual": dense_visual,
        "text_embedding": text_embedding,
        "W1": W1,
        "b1": b1,
        "W2": W2,
        "b2": b2,
        "register_token": register_token,
    }


def reference(dense_visual, text_embedding, W1, b1, W2, b2, register_token):
    B, N, D = dense_visual.shape
    max_keep = 96
    # top-down context: mean over text seq, broadcast to every patch
    ctx = jnp.mean(text_embedding, axis=1, keepdims=True)
    ctx = jnp.broadcast_to(ctx, (B, N, ctx.shape[-1]))
    scorer_in = jnp.concatenate([dense_visual, ctx], axis=-1)
    # scorer MLP: Linear(1536,256) -> ReLU -> Linear(256,1) -> Sigmoid
    h = jax.nn.relu(scorer_in @ W1 + b1)
    scores = jax.nn.sigmoid(h @ W2 + b2)[..., 0]  # [B, N]
    num_keep = min(max_keep, N)
    num_keep = max(1, num_keep)
    _, top_k_idx = jax.lax.top_k(scores, num_keep)
    top_k_idx = jnp.sort(top_k_idx, axis=1)
    # gather kept patches
    sparse_visual = jnp.take_along_axis(dense_visual, top_k_idx[:, :, None], axis=1)
    register = jnp.broadcast_to(register_token, (B, 1, D))
    final_visual = jnp.concatenate([sparse_visual, register], axis=1)
    return (final_visual, top_k_idx)

if __name__ == "__main__":
    import jax
    _d = setup_inputs()
    print(jax.jit(kernel)(*tuple(_d.values())))

</pallas_src>

<mosaic_0001>
#map = affine_map<(d0, d1) -> (0, 0)>
#map1 = affine_map<(d0, d1) -> (0)>
#map2 = affine_map<(d0, d1) -> (0, 0, 0)>
module attributes {stable_mosaic.version = 14 : i64} {
  func.func @_sc_gather_body(%arg0: i32, %arg1: i32, %arg2: memref<36864x768xf32, #tpu.memory_space<hbm>>, %arg3: memref<6144xi32, #tpu.memory_space<hbm>>, %arg4: memref<1x768xf32, #tpu.memory_space<hbm>>, %arg5: memref<64x97x768xf32, #tpu.memory_space<hbm>>, %arg6: memref<96xi32, #tpu.memory_space<vmem>>, %arg7: memref<96xi32, #tpu.memory_space<vmem>>, %arg8: memref<96x768xf32, #tpu.memory_space<vmem>>, %arg9: memref<1x768xf32, #tpu.memory_space<vmem>>, %arg10: memref<!tpu.dma_semaphore, #tpu.memory_space<semaphore_mem>>) attributes {dimension_semantics = [#tpu.dimension_semantics<core_parallel>, #tpu.dimension_semantics<subcore_parallel>], iteration_bounds = array<i64: 2, 16>, scalar_prefetch = 0 : i64, scratch_operands = 5 : i64, tpu.core_type = #tpu.core_type<sc_vector_subcore>, window_params = [{transform_indices = #map}, {transform_indices = #map1}, {transform_indices = #map}, {transform_indices = #map2}]} {
    %mul3A = arith.constant 2 : i32
    %mul3A_0 = arith.muli %arg1, %mul3A : i32
    %add3A = arith.addi %mul3A_0, %arg0 : i32
    "tpu.region"() ({
      %run_scoped3A = tpu.sem_alloc : memref<!tpu.dma_semaphore, #tpu.memory_space<semaphore_mem>>
      tpu.enqueue_dma source(%arg4 : memref<1x768xf32, #tpu.memory_space<hbm>>) target(%arg9 : memref<1x768xf32, #tpu.memory_space<vmem>>) target_semaphore(%run_scoped3A : memref<!tpu.dma_semaphore, #tpu.memory_space<semaphore_mem>>)
      tpu.wait_dma2 semaphore(%run_scoped3A : memref<!tpu.dma_semaphore, #tpu.memory_space<semaphore_mem>>) src(%arg4 : memref<1x768xf32, #tpu.memory_space<hbm>>) dst(%arg9 : memref<1x768xf32, #tpu.memory_space<vmem>>)
      tpu.yield
    }) : () -> ()
    %mul3A_1 = arith.constant 2 : i32
    %mul3A_2 = arith.muli %add3A, %mul3A_1 : i32
    %add3A_3 = arith.constant 0 : i32
    %add3A_4 = arith.addi %mul3A_2, %add3A_3 : i32
    %mul3A_5 = arith.constant 96 : i32
    %mul3A_6 = arith.muli %add3A_4, %mul3A_5 : i32
    "tpu.region"() ({
      %run_scoped3A = tpu.sem_alloc : memref<!tpu.dma_semaphore, #tpu.memory_space<semaphore_mem>>
      %dma_start3A_177 = tpu.memref_slice %arg3[%mul3A_6] : memref<6144xi32, #tpu.memory_space<hbm>> -> memref<96xi32, #tpu.memory_space<hbm>>
      %dma_start3A_178 = tpu.memref_slice %arg3[%mul3A_6] : memref<6144xi32, #tpu.memory_space<hbm>> -> memref<96xi32, #tpu.memory_space<hbm>>
      tpu.enqueue_dma source(%dma_start3A_178 : memref<96xi32, #tpu.memory_space<hbm>>) target(%arg6 : memref<96xi32, #tpu.memory_space<vmem>>) target_semaphore(%run_scoped3A : memref<!tpu.dma_semaphore, #tpu.memory_space<semaphore_mem>>)
      %dma_wait3A_179 = tpu.memref_slice %arg3[%mul3A_6] : memref<6144xi32, #tpu.memory_space<hbm>> -> memref<96xi32, #tpu.memory_space<hbm>>
      %dma_wait3A_180 = tpu.memref_slice %arg3[%mul3A_6] : memref<6144xi32, #tpu.memory_space<hbm>> -> memref<96xi32, #tpu.memory_space<hbm>>
      tpu.wait_dma2 semaphore(%run_scoped3A : memref<!tpu.dma_semaphore, #tpu.memory_space<semaphore_mem>>) src(%dma_wait3A_180 : memref<96xi32, #tpu.memory_space<hbm>>) dst(%arg6 : memref<96xi32, #tpu.memory_space<vmem>>)
      tpu.yield
    }) : () -> ()
    %get3A = arith.constant 0 : index
    %get3A_7 = tpu.vector_load %arg6[%get3A] {strides = array<i32>} : memref<96xi32, #tpu.memory_space<vmem>>, vector<16xi32>,
    %get3A_8 = vector.shape_cast %get3A_7 : vector<16xi32> to vector<16xi32>
    %add3A_9 = arith.constant 0 : i32
    %add3A_10 = arith.addi %add3A_9, %add3A_4 : i32
    %mul3A_11 = arith.constant 576 : i32
    %mul3A_12 = arith.muli %add3A_10, %mul3A_11 : i32
    %add3A_13 = vector.broadcast %mul3A_12 : i32 to vector<16xi32>
    %add3A_14 = arith.addi %get3A_8, %add3A_13 : vector<16xi32>
    %swap3A = arith.constant 0 : index
    %swap3A_15 = tpu.vector_load %arg7[%swap3A] {strides = array<i32>} : memref<96xi32, #tpu.memory_space<vmem>>, vector<16xi32>,
    %swap3A_16 = vector.shape_cast %swap3A_15 : vector<16xi32> to vector<16xi32>
    %swap3A_17 = vector.shape_cast %add3A_14 : vector<16xi32> to vector<16xi32>
    tpu.vector_store %arg7[%swap3A], %swap3A_17 {strides = array<i32>} : memref<96xi32, #tpu.memory_space<vmem>>, vector<16xi32>,
    %get3A_18 = arith.constant 16 : index
    %get3A_19 = tpu.vector_load %arg6[%get3A_18] {strides = array<i32>} : memref<96xi32, #tpu.memory_space<vmem>>, vector<16xi32>,
    %get3A_20 = vector.shape_cast %get3A_19 : vector<16xi32> to vector<16xi32>
    %add3A_21 = arith.constant 0 : i32
    %add3A_22 = arith.addi %add3A_21, %add3A_4 : i32
    %mul3A_23 = arith.constant 576 : i32
    %mul3A_24 = arith.muli %add3A_22, %mul3A_23 : i32
    %add3A_25 = vector.broadcast %mul3A_24 : i32 to vector<16xi32>
    %add3A_26 = arith.addi %get3A_20, %add3A_25 : vector<16xi32>
    %swap3A_27 = arith.constant 16 : index
    %swap3A_28 = tpu.vector_load %arg7[%swap3A_27] {strides = array<i32>} : memref<96xi32, #tpu.memory_space<vmem>>, vector<16xi32>,
    %swap3A_29 = vector.shape_cast %swap3A_28 : vector<16xi32> to vector<16xi32>
    %swap3A_30 = vector.shape_cast %add3A_26 : vector<16xi32> to vector<16xi32>
    tpu.vector_store %arg7[%swap3A_27], %swap3A_30 {strides = array<i32>} : memref<96xi32, #tpu.memory_space<vmem>>, vector<16xi32>,
    %get3A_31 = arith.constant 32 : index
    %get3A_32 = tpu.vector_load %arg6[%get3A_31] {strides = array<i32>} : memref<96xi32, #tpu.memory_space<vmem>>, vector<16xi32>,
    %get3A_33 = vector.shape_cast %get3A_32 : vector<16xi32> to vector<16xi32>
    %add3A_34 = arith.constant 0 : i32
    %add3A_35 = arith.addi %add3A_34, %add3A_4 : i32
    %mul3A_36 = arith.constant 576 : i32
    %mul3A_37 = arith.muli %add3A_35, %mul3A_36 : i32
    %add3A_38 = vector.broadcast %mul3A_37 : i32 to vector<16xi32>
    %add3A_39 = arith.addi %get3A_33, %add3A_38 : vector<16xi32>
    %swap3A_40 = arith.constant 32 : index
    %swap3A_41 = tpu.vector_load %arg7[%swap3A_40] {strides = array<i32>} : memref<96xi32, #tpu.memory_space<vmem>>, vector<16xi32>,
    %swap3A_42 = vector.shape_cast %swap3A_41 : vector<16xi32> to vector<16xi32>
    %swap3A_43 = vector.shape_cast %add3A_39 : vector<16xi32> to vector<16xi32>
    tpu.vector_store %arg7[%swap3A_40], %swap3A_43 {strides = array<i32>} : memref<96xi32, #tpu.memory_space<vmem>>, vector<16xi32>,
    %get3A_44 = arith.constant 48 : index
    %get3A_45 = tpu.vector_load %arg6[%get3A_44] {strides = array<i32>} : memref<96xi32, #tpu.memory_space<vmem>>, vector<16xi32>,
    %get3A_46 = vector.shape_cast %get3A_45 : vector<16xi32> to vector<16xi32>
    %add3A_47 = arith.constant 0 : i32
    %add3A_48 = arith.addi %add3A_47, %add3A_4 : i32
    %mul3A_49 = arith.constant 576 : i32
    %mul3A_50 = arith.muli %add3A_48, %mul3A_49 : i32
    %add3A_51 = vector.broadcast %mul3A_50 : i32 to vector<16xi32>
    %add3A_52 = arith.addi %get3A_46, %add3A_51 : vector<16xi32>
    %swap3A_53 = arith.constant 48 : index
    %swap3A_54 = tpu.vector_load %arg7[%swap3A_53] {strides = array<i32>} : memref<96xi32, #tpu.memory_space<vmem>>, vector<16xi32>,
    %swap3A_55 = vector.shape_cast %swap3A_54 : vector<16xi32> to vector<16xi32>
    %swap3A_56 = vector.shape_cast %add3A_52 : vector<16xi32> to vector<16xi32>
    tpu.vector_store %arg7[%swap3A_53], %swap3A_56 {strides = array<i32>} : memref<96xi32, #tpu.memory_space<vmem>>, vector<16xi32>,
    %get3A_57 = arith.constant 64 : index
    %get3A_58 = tpu.vector_load %arg6[%get3A_57] {strides = array<i32>} : memref<96xi32, #tpu.memory_space<vmem>>, vector<16xi32>,
    %get3A_59 = vector.shape_cast %get3A_58 : vector<16xi32> to vector<16xi32>
    %add3A_60 = arith.constant 0 : i32
    %add3A_61 = arith.addi %add3A_60, %add3A_4 : i32
    %mul3A_62 = arith.constant 576 : i32
    %mul3A_63 = arith.muli %add3A_61, %mul3A_62 : i32
    %add3A_64 = vector.broadcast %mul3A_63 : i32 to vector<16xi32>
    %add3A_65 = arith.addi %get3A_59, %add3A_64 : vector<16xi32>
    %swap3A_66 = arith.constant 64 : index
    %swap3A_67 = tpu.vector_load %arg7[%swap3A_66] {strides = array<i32>} : memref<96xi32, #tpu.memory_space<vmem>>, vector<16xi32>,
    %swap3A_68 = vector.shape_cast %swap3A_67 : vector<16xi32> to vector<16xi32>
    %swap3A_69 = vector.shape_cast %add3A_65 : vector<16xi32> to vector<16xi32>
    tpu.vector_store %arg7[%swap3A_66], %swap3A_69 {strides = array<i32>} : memref<96xi32, #tpu.memory_space<vmem>>, vector<16xi32>,
    %get3A_70 = arith.constant 80 : index
    %get3A_71 = tpu.vector_load %arg6[%get3A_70] {strides = array<i32>} : memref<96xi32, #tpu.memory_space<vmem>>, vector<16xi32>,
    %get3A_72 = vector.shape_cast %get3A_71 : vector<16xi32> to vector<16xi32>
    %add3A_73 = arith.constant 0 : i32
    %add3A_74 = arith.addi %add3A_73, %add3A_4 : i32
    %mul3A_75 = arith.constant 576 : i32
    %mul3A_76 = arith.muli %add3A_74, %mul3A_75 : i32
    %add3A_77 = vector.broadcast %mul3A_76 : i32 to vector<16xi32>
    %add3A_78 = arith.addi %get3A_72, %add3A_77 : vector<16xi32>
    %swap3A_79 = arith.constant 80 : index
    %swap3A_80 = tpu.vector_load %arg7[%swap3A_79] {strides = array<i32>} : memref<96xi32, #tpu.memory_space<vmem>>, vector<16xi32>,
    %swap3A_81 = vector.shape_cast %swap3A_80 : vector<16xi32> to vector<16xi32>
    %swap3A_82 = vector.shape_cast %add3A_78 : vector<16xi32> to vector<16xi32>
    tpu.vector_store %arg7[%swap3A_79], %swap3A_82 {strides = array<i32>} : memref<96xi32, #tpu.memory_space<vmem>>, vector<16xi32>,
    %dma_start3A = arith.constant 0 : i32
    %dma_start3A_83 = arith.constant 0 : i32
    %dma_start3A_84 = tpu.memref_slice %arg2[%dma_start3A, %dma_start3A_83] : memref<36864x768xf32, #tpu.memory_space<hbm>> -> memref<36864x768xf32, #tpu.memory_space<hbm>>
    tpu.enqueue_indirect_dma source(%dma_start3A_84 : memref<36864x768xf32, #tpu.memory_space<hbm>>) target(%arg8 : memref<96x768xf32, #tpu.memory_space<vmem>>) offsets(%arg7 : memref<96xi32, #tpu.memory_space<vmem>>) semaphore(%arg10 : memref<!tpu.dma_semaphore, #tpu.memory_space<semaphore_mem>>)
    %dma_wait3A = arith.constant 0 : i32
    %dma_wait3A_85 = arith.constant 0 : i32
    %dma_wait3A_86 = tpu.memref_slice %arg2[%dma_wait3A, %dma_wait3A_85] : memref<36864x768xf32, #tpu.memory_space<hbm>> -> memref<36864x768xf32, #tpu.memory_space<hbm>>
    tpu.wait_indirect_dma semaphore(%arg10 : memref<!tpu.dma_semaphore, #tpu.memory_space<semaphore_mem>>) src(%dma_wait3A_86 : memref<36864x768xf32, #tpu.memory_space<hbm>>) dst(%arg8 : memref<96x768xf32, #tpu.memory_space<vmem>>)
    "tpu.region"() ({
      %run_scoped3A = tpu.sem_alloc : memref<!tpu.dma_semaphore, #tpu.memory_space<semaphore_mem>>
      %dma_start3A_177 = arith.constant 0 : i32
      %dma_start3A_178 = arith.constant 0 : i32
      %dma_start3A_179 = tpu.memref_slice %arg5[%add3A_4, %dma_start3A_177, %dma_start3A_178] : memref<64x97x768xf32, #tpu.memory_space<hbm>> -> memref<1x96x768xf32, #tpu.memory_space<hbm>>
      %dma_start3A_180 = tpu.memref_squeeze %dma_start3A_179 : memref<1x96x768xf32, #tpu.memory_space<hbm>> -> memref<96x768xf32, #tpu.memory_space<hbm>>
      %dma_start3A_181 = arith.constant 0 : i32
      %dma_start3A_182 = arith.constant 0 : i32
      %dma_start3A_183 = tpu.memref_slice %arg5[%add3A_4, %dma_start3A_181, %dma_start3A_182] : memref<64x97x768xf32, #tpu.memory_space<hbm>> -> memref<1x96x768xf32, #tpu.memory_space<hbm>>
      %dma_start3A_184 = tpu.memref_squeeze %dma_start3A_183 : memref<1x96x768xf32, #tpu.memory_space<hbm>> -> memref<96x768xf32, #tpu.memory_space<hbm>>
      tpu.enqueue_dma source(%arg8 : memref<96x768xf32, #tpu.memory_space<vmem>>) target(%dma_start3A_184 : memref<96x768xf32, #tpu.memory_space<hbm>>) target_semaphore(%run_scoped3A : memref<!tpu.dma_semaphore, #tpu.memory_space<semaphore_mem>>)
      %dma_wait3A_185 = arith.constant 0 : i32
      %dma_wait3A_186 = arith.constant 0 : i32
      %dma_wait3A_187 = tpu.memref_slice %arg5[%add3A_4, %dma_wait3A_185, %dma_wait3A_186] : memref<64x97x768xf32, #tpu.memory_space<hbm>> -> memref<1x96x768xf32, #tpu.memory_space<hbm>>
      %dma_wait3A_188 = tpu.memref_squeeze %dma_wait3A_187 : memref<1x96x768xf32, #tpu.memory_space<hbm>> -> memref<96x768xf32, #tpu.memory_space<hbm>>
      %dma_wait3A_189 = arith.constant 0 : i32
      %dma_wait3A_190 = arith.constant 0 : i32
      %dma_wait3A_191 = tpu.memref_slice %arg5[%add3A_4, %dma_wait3A_189, %dma_wait3A_190] : memref<64x97x768xf32, #tpu.memory_space<hbm>> -> memref<1x96x768xf32, #tpu.memory_space<hbm>>
      %dma_wait3A_192 = tpu.memref_squeeze %dma_wait3A_191 : memref<1x96x768xf32, #tpu.memory_space<hbm>> -> memref<96x768xf32, #tpu.memory_space<hbm>>
      tpu.wait_dma2 semaphore(%run_scoped3A : memref<!tpu.dma_semaphore, #tpu.memory_space<semaphore_mem>>) src(%arg8 : memref<96x768xf32, #tpu.memory_space<vmem>>) dst(%dma_wait3A_192 : memref<96x768xf32, #tpu.memory_space<hbm>>)
      tpu.yield
    }) : () -> ()
    "tpu.region"() ({
      %run_scoped3A = tpu.sem_alloc : memref<!tpu.dma_semaphore, #tpu.memory_space<semaphore_mem>>
      %dma_start3A_177 = arith.constant 96 : i32
      %dma_start3A_178 = arith.constant 0 : i32
      %dma_start3A_179 = tpu.memref_slice %arg5[%add3A_4, %dma_start3A_177, %dma_start3A_178] : memref<64x97x768xf32, #tpu.memory_space<hbm>> -> memref<1x1x768xf32, #tpu.memory_space<hbm>>
      %dma_start3A_180 = tpu.memref_squeeze %dma_start3A_179 : memref<1x1x768xf32, #tpu.memory_space<hbm>> -> memref<1x768xf32, #tpu.memory_space<hbm>>
      %dma_start3A_181 = arith.constant 96 : i32
      %dma_start3A_182 = arith.constant 0 : i32
      %dma_start3A_183 = tpu.memref_slice %arg5[%add3A_4, %dma_start3A_181, %dma_start3A_182] : memref<64x97x768xf32, #tpu.memory_space<hbm>> -> memref<1x1x768xf32, #tpu.memory_space<hbm>>
      %dma_start3A_184 = tpu.memref_squeeze %dma_start3A_183 : memref<1x1x768xf32, #tpu.memory_space<hbm>> -> memref<1x768xf32, #tpu.memory_space<hbm>>
      tpu.enqueue_dma source(%arg9 : memref<1x768xf32, #tpu.memory_space<vmem>>) target(%dma_start3A_184 : memref<1x768xf32, #tpu.memory_space<hbm>>) target_semaphore(%run_scoped3A : memref<!tpu.dma_semaphore, #tpu.memory_space<semaphore_mem>>)
      %dma_wait3A_185 = arith.constant 96 : i32
      %dma_wait3A_186 = arith.constant 0 : i32
      %dma_wait3A_187 = tpu.memref_slice %arg5[%add3A_4, %dma_wait3A_185, %dma_wait3A_186] : memref<64x97x768xf32, #tpu.memory_space<hbm>> -> memref<1x1x768xf32, #tpu.memory_space<hbm>>
      %dma_wait3A_188 = tpu.memref_squeeze %dma_wait3A_187 : memref<1x1x768xf32, #tpu.memory_space<hbm>> -> memref<1x768xf32, #tpu.memory_space<hbm>>
      %dma_wait3A_189 = arith.constant 96 : i32
      %dma_wait3A_190 = arith.constant 0 : i32
      %dma_wait3A_191 = tpu.memref_slice %arg5[%add3A_4, %dma_wait3A_189, %dma_wait3A_190] : memref<64x97x768xf32, #tpu.memory_space<hbm>> -> memref<1x1x768xf32, #tpu.memory_space<hbm>>
      %dma_wait3A_192 = tpu.memref_squeeze %dma_wait3A_191 : memref<1x1x768xf32, #tpu.memory_space<hbm>> -> memref<1x768xf32, #tpu.memory_space<hbm>>
      tpu.wait_dma2 semaphore(%run_scoped3A : memref<!tpu.dma_semaphore, #tpu.memory_space<semaphore_mem>>) src(%arg9 : memref<1x768xf32, #tpu.memory_space<vmem>>) dst(%dma_wait3A_192 : memref<1x768xf32, #tpu.memory_space<hbm>>)
      tpu.yield
    }) : () -> ()
    %mul3A_87 = arith.constant 2 : i32
    %mul3A_88 = arith.muli %add3A, %mul3A_87 : i32
    %add3A_89 = arith.constant 1 : i32
    %add3A_90 = arith.addi %mul3A_88, %add3A_89 : i32
    %mul3A_91 = arith.constant 96 : i32
    %mul3A_92 = arith.muli %add3A_90, %mul3A_91 : i32
    "tpu.region"() ({
      %run_scoped3A = tpu.sem_alloc : memref<!tpu.dma_semaphore, #tpu.memory_space<semaphore_mem>>
      %dma_start3A_177 = tpu.memref_slice %arg3[%mul3A_92] : memref<6144xi32, #tpu.memory_space<hbm>> -> memref<96xi32, #tpu.memory_space<hbm>>
      %dma_start3A_178 = tpu.memref_slice %arg3[%mul3A_92] : memref<6144xi32, #tpu.memory_space<hbm>> -> memref<96xi32, #tpu.memory_space<hbm>>
      tpu.enqueue_dma source(%dma_start3A_178 : memref<96xi32, #tpu.memory_space<hbm>>) target(%arg6 : memref<96xi32, #tpu.memory_space<vmem>>) target_semaphore(%run_scoped3A : memref<!tpu.dma_semaphore, #tpu.memory_space<semaphore_mem>>)
      %dma_wait3A_179 = tpu.memref_slice %arg3[%mul3A_92] : memref<6144xi32, #tpu.memory_space<hbm>> -> memref<96xi32, #tpu.memory_space<hbm>>
      %dma_wait3A_180 = tpu.memref_slice %arg3[%mul3A_92] : memref<6144xi32, #tpu.memory_space<hbm>> -> memref<96xi32, #tpu.memory_space<hbm>>
      tpu.wait_dma2 semaphore(%run_scoped3A : memref<!tpu.dma_semaphore, #tpu.memory_space<semaphore_mem>>) src(%dma_wait3A_180 : memref<96xi32, #tpu.memory_space<hbm>>) dst(%arg6 : memref<96xi32, #tpu.memory_space<vmem>>)
      tpu.yield
    }) : () -> ()
    %get3A_93 = arith.constant 0 : index
    %get3A_94 = tpu.vector_load %arg6[%get3A_93] {strides = array<i32>} : memref<96xi32, #tpu.memory_space<vmem>>, vector<16xi32>,
    %get3A_95 = vector.shape_cast %get3A_94 : vector<16xi32> to vector<16xi32>
    %add3A_96 = arith.constant 0 : i32
    %add3A_97 = arith.addi %add3A_96, %add3A_90 : i32
    %mul3A_98 = arith.constant 576 : i32
    %mul3A_99 = arith.muli %add3A_97, %mul3A_98 : i32
    %add3A_100 = vector.broadcast %mul3A_99 : i32 to vector<16xi32>
    %add3A_101 = arith.addi %get3A_95, %add3A_100 : vector<16xi32>
    %swap3A_102 = arith.constant 0 : index
    %swap3A_103 = tpu.vector_load %arg7[%swap3A_102] {strides = array<i32>} : memref<96xi32, #tpu.memory_space<vmem>>, vector<16xi32>,
    %swap3A_104 = vector.shape_cast %swap3A_103 : vector<16xi32> to vector<16xi32>
    %swap3A_105 = vector.shape_cast %add3A_101 : vector<16xi32> to vector<16xi32>
    tpu.vector_store %arg7[%swap3A_102], %swap3A_105 {strides = array<i32>} : memref<96xi32, #tpu.memory_space<vmem>>, vector<16xi32>,
    %get3A_106 = arith.constant 16 : index
    %get3A_107 = tpu.vector_load %arg6[%get3A_106] {strides = array<i32>} : memref<96xi32, #tpu.memory_space<vmem>>, vector<16xi32>,
    %get3A_108 = vector.shape_cast %get3A_107 : vector<16xi32> to vector<16xi32>
    %add3A_109 = arith.constant 0 : i32
    %add3A_110 = arith.addi %add3A_109, %add3A_90 : i32
    %mul3A_111 = arith.constant 576 : i32
    %mul3A_112 = arith.muli %add3A_110, %mul3A_111 : i32
    %add3A_113 = vector.broadcast %mul3A_112 : i32 to vector<16xi32>
    %add3A_114 = arith.addi %get3A_108, %add3A_113 : vector<16xi32>
    %swap3A_115 = arith.constant 16 : index
    %swap3A_116 = tpu.vector_load %arg7[%swap3A_115] {strides = array<i32>} : memref<96xi32, #tpu.memory_space<vmem>>, vector<16xi32>,
    %swap3A_117 = vector.shape_cast %swap3A_116 : vector<16xi32> to vector<16xi32>
    %swap3A_118 = vector.shape_cast %add3A_114 : vector<16xi32> to vector<16xi32>
    tpu.vector_store %arg7[%swap3A_115], %swap3A_118 {strides = array<i32>} : memref<96xi32, #tpu.memory_space<vmem>>, vector<16xi32>,
    %get3A_119 = arith.constant 32 : index
    %get3A_120 = tpu.vector_load %arg6[%get3A_119] {strides = array<i32>} : memref<96xi32, #tpu.memory_space<vmem>>, vector<16xi32>,
    %get3A_121 = vector.shape_cast %get3A_120 : vector<16xi32> to vector<16xi32>
    %add3A_122 = arith.constant 0 : i32
    %add3A_123 = arith.addi %add3A_122, %add3A_90 : i32
    %mul3A_124 = arith.constant 576 : i32
    %mul3A_125 = arith.muli %add3A_123, %mul3A_124 : i32
    %add3A_126 = vector.broadcast %mul3A_125 : i32 to vector<16xi32>
    %add3A_127 = arith.addi %get3A_121, %add3A_126 : vector<16xi32>
    %swap3A_128 = arith.constant 32 : index
    %swap3A_129 = tpu.vector_load %arg7[%swap3A_128] {strides = array<i32>} : memref<96xi32, #tpu.memory_space<vmem>>, vector<16xi32>,
    %swap3A_130 = vector.shape_cast %swap3A_129 : vector<16xi32> to vector<16xi32>
    %swap3A_131 = vector.shape_cast %add3A_127 : vector<16xi32> to vector<16xi32>
    tpu.vector_store %arg7[%swap3A_128], %swap3A_131 {strides = array<i32>} : memref<96xi32, #tpu.memory_space<vmem>>, vector<16xi32>,
    %get3A_132 = arith.constant 48 : index
    %get3A_133 = tpu.vector_load %arg6[%get3A_132] {strides = array<i32>} : memref<96xi32, #tpu.memory_space<vmem>>, vector<16xi32>,
    %get3A_134 = vector.shape_cast %get3A_133 : vector<16xi32> to vector<16xi32>
    %add3A_135 = arith.constant 0 : i32
    %add3A_136 = arith.addi %add3A_135, %add3A_90 : i32
    %mul3A_137 = arith.constant 576 : i32
    %mul3A_138 = arith.muli %add3A_136, %mul3A_137 : i32
    %add3A_139 = vector.broadcast %mul3A_138 : i32 to vector<16xi32>
    %add3A_140 = arith.addi %get3A_134, %add3A_139 : vector<16xi32>
    %swap3A_141 = arith.constant 48 : index
    %swap3A_142 = tpu.vector_load %arg7[%swap3A_141] {strides = array<i32>} : memref<96xi32, #tpu.memory_space<vmem>>, vector<16xi32>,
    %swap3A_143 = vector.shape_cast %swap3A_142 : vector<16xi32> to vector<16xi32>
    %swap3A_144 = vector.shape_cast %add3A_140 : vector<16xi32> to vector<16xi32>
    tpu.vector_store %arg7[%swap3A_141], %swap3A_144 {strides = array<i32>} : memref<96xi32, #tpu.memory_space<vmem>>, vector<16xi32>,
    %get3A_145 = arith.constant 64 : index
    %get3A_146 = tpu.vector_load %arg6[%get3A_145] {strides = array<i32>} : memref<96xi32, #tpu.memory_space<vmem>>, vector<16xi32>,
    %get3A_147 = vector.shape_cast %get3A_146 : vector<16xi32> to vector<16xi32>
    %add3A_148 = arith.constant 0 : i32
    %add3A_149 = arith.addi %add3A_148, %add3A_90 : i32
    %mul3A_150 = arith.constant 576 : i32
    %mul3A_151 = arith.muli %add3A_149, %mul3A_150 : i32
    %add3A_152 = vector.broadcast %mul3A_151 : i32 to vector<16xi32>
    %add3A_153 = arith.addi %get3A_147, %add3A_152 : vector<16xi32>
    %swap3A_154 = arith.constant 64 : index
    %swap3A_155 = tpu.vector_load %arg7[%swap3A_154] {strides = array<i32>} : memref<96xi32, #tpu.memory_space<vmem>>, vector<16xi32>,
    %swap3A_156 = vector.shape_cast %swap3A_155 : vector<16xi32> to vector<16xi32>
    %swap3A_157 = vector.shape_cast %add3A_153 : vector<16xi32> to vector<16xi32>
    tpu.vector_store %arg7[%swap3A_154], %swap3A_157 {strides = array<i32>} : memref<96xi32, #tpu.memory_space<vmem>>, vector<16xi32>,
    %get3A_158 = arith.constant 80 : index
    %get3A_159 = tpu.vector_load %arg6[%get3A_158] {strides = array<i32>} : memref<96xi32, #tpu.memory_space<vmem>>, vector<16xi32>,
    %get3A_160 = vector.shape_cast %get3A_159 : vector<16xi32> to vector<16xi32>
    %add3A_161 = arith.constant 0 : i32
    %add3A_162 = arith.addi %add3A_161, %add3A_90 : i32
    %mul3A_163 = arith.constant 576 : i32
    %mul3A_164 = arith.muli %add3A_162, %mul3A_163 : i32
    %add3A_165 = vector.broadcast %mul3A_164 : i32 to vector<16xi32>
    %add3A_166 = arith.addi %get3A_160, %add3A_165 : vector<16xi32>
    %swap3A_167 = arith.constant 80 : index
    %swap3A_168 = tpu.vector_load %arg7[%swap3A_167] {strides = array<i32>} : memref<96xi32, #tpu.memory_space<vmem>>, vector<16xi32>,
    %swap3A_169 = vector.shape_cast %swap3A_168 : vector<16xi32> to vector<16xi32>
    %swap3A_170 = vector.shape_cast %add3A_166 : vector<16xi32> to vector<16xi32>
    tpu.vector_store %arg7[%swap3A_167], %swap3A_170 {strides = array<i32>} : memref<96xi32, #tpu.memory_space<vmem>>, vector<16xi32>,
    %dma_start3A_171 = arith.constant 0 : i32
    %dma_start3A_172 = arith.constant 0 : i32
    %dma_start3A_173 = tpu.memref_slice %arg2[%dma_start3A_171, %dma_start3A_172] : memref<36864x768xf32, #tpu.memory_space<hbm>> -> memref<36864x768xf32, #tpu.memory_space<hbm>>
    tpu.enqueue_indirect_dma source(%dma_start3A_173 : memref<36864x768xf32, #tpu.memory_space<hbm>>) target(%arg8 : memref<96x768xf32, #tpu.memory_space<vmem>>) offsets(%arg7 : memref<96xi32, #tpu.memory_space<vmem>>) semaphore(%arg10 : memref<!tpu.dma_semaphore, #tpu.memory_space<semaphore_mem>>)
    %dma_wait3A_174 = arith.constant 0 : i32
    %dma_wait3A_175 = arith.constant 0 : i32
    %dma_wait3A_176 = tpu.memref_slice %arg2[%dma_wait3A_174, %dma_wait3A_175] : memref<36864x768xf32, #tpu.memory_space<hbm>> -> memref<36864x768xf32, #tpu.memory_space<hbm>>
    tpu.wait_indirect_dma semaphore(%arg10 : memref<!tpu.dma_semaphore, #tpu.memory_space<semaphore_mem>>) src(%dma_wait3A_176 : memref<36864x768xf32, #tpu.memory_space<hbm>>) dst(%arg8 : memref<96x768xf32, #tpu.memory_space<vmem>>)
    "tpu.region"() ({
      %run_scoped3A = tpu.sem_alloc : memref<!tpu.dma_semaphore, #tpu.memory_space<semaphore_mem>>
      %dma_start3A_177 = arith.constant 0 : i32
      %dma_start3A_178 = arith.constant 0 : i32
      %dma_start3A_179 = tpu.memref_slice %arg5[%add3A_90, %dma_start3A_177, %dma_start3A_178] : memref<64x97x768xf32, #tpu.memory_space<hbm>> -> memref<1x96x768xf32, #tpu.memory_space<hbm>>
      %dma_start3A_180 = tpu.memref_squeeze %dma_start3A_179 : memref<1x96x768xf32, #tpu.memory_space<hbm>> -> memref<96x768xf32, #tpu.memory_space<hbm>>
      %dma_start3A_181 = arith.constant 0 : i32
      %dma_start3A_182 = arith.constant 0 : i32
      %dma_start3A_183 = tpu.memref_slice %arg5[%add3A_90, %dma_start3A_181, %dma_start3A_182] : memref<64x97x768xf32, #tpu.memory_space<hbm>> -> memref<1x96x768xf32, #tpu.memory_space<hbm>>
      %dma_start3A_184 = tpu.memref_squeeze %dma_start3A_183 : memref<1x96x768xf32, #tpu.memory_space<hbm>> -> memref<96x768xf32, #tpu.memory_space<hbm>>
      tpu.enqueue_dma source(%arg8 : memref<96x768xf32, #tpu.memory_space<vmem>>) target(%dma_start3A_184 : memref<96x768xf32, #tpu.memory_space<hbm>>) target_semaphore(%run_scoped3A : memref<!tpu.dma_semaphore, #tpu.memory_space<semaphore_mem>>)
      %dma_wait3A_185 = arith.constant 0 : i32
      %dma_wait3A_186 = arith.constant 0 : i32
      %dma_wait3A_187 = tpu.memref_slice %arg5[%add3A_90, %dma_wait3A_185, %dma_wait3A_186] : memref<64x97x768xf32, #tpu.memory_space<hbm>> -> memref<1x96x768xf32, #tpu.memory_space<hbm>>
      %dma_wait3A_188 = tpu.memref_squeeze %dma_wait3A_187 : memref<1x96x768xf32, #tpu.memory_space<hbm>> -> memref<96x768xf32, #tpu.memory_space<hbm>>
      %dma_wait3A_189 = arith.constant 0 : i32
      %dma_wait3A_190 = arith.constant 0 : i32
      %dma_wait3A_191 = tpu.memref_slice %arg5[%add3A_90, %dma_wait3A_189, %dma_wait3A_190] : memref<64x97x768xf32, #tpu.memory_space<hbm>> -> memref<1x96x768xf32, #tpu.memory_space<hbm>>
      %dma_wait3A_192 = tpu.memref_squeeze %dma_wait3A_191 : memref<1x96x768xf32, #tpu.memory_space<hbm>> -> memref<96x768xf32, #tpu.memory_space<hbm>>
      tpu.wait_dma2 semaphore(%run_scoped3A : memref<!tpu.dma_semaphore, #tpu.memory_space<semaphore_mem>>) src(%arg8 : memref<96x768xf32, #tpu.memory_space<vmem>>) dst(%dma_wait3A_192 : memref<96x768xf32, #tpu.memory_space<hbm>>)
      tpu.yield
    }) : () -> ()
    "tpu.region"() ({
      %run_scoped3A = tpu.sem_alloc : memref<!tpu.dma_semaphore, #tpu.memory_space<semaphore_mem>>
      %dma_start3A_177 = arith.constant 96 : i32
      %dma_start3A_178 = arith.constant 0 : i32
      %dma_start3A_179 = tpu.memref_slice %arg5[%add3A_90, %dma_start3A_177, %dma_start3A_178] : memref<64x97x768xf32, #tpu.memory_space<hbm>> -> memref<1x1x768xf32, #tpu.memory_space<hbm>>
      %dma_start3A_180 = tpu.memref_squeeze %dma_start3A_179 : memref<1x1x768xf32, #tpu.memory_space<hbm>> -> memref<1x768xf32, #tpu.memory_space<hbm>>
      %dma_start3A_181 = arith.constant 96 : i32
      %dma_start3A_182 = arith.constant 0 : i32
      %dma_start3A_183 = tpu.memref_slice %arg5[%add3A_90, %dma_start3A_181, %dma_start3A_182] : memref<64x97x768xf32, #tpu.memory_space<hbm>> -> memref<1x1x768xf32, #tpu.memory_space<hbm>>
      %dma_start3A_184 = tpu.memref_squeeze %dma_start3A_183 : memref<1x1x768xf32, #tpu.memory_space<hbm>> -> memref<1x768xf32, #tpu.memory_space<hbm>>
      tpu.enqueue_dma source(%arg9 : memref<1x768xf32, #tpu.memory_space<vmem>>) target(%dma_start3A_184 : memref<1x768xf32, #tpu.memory_space<hbm>>) target_semaphore(%run_scoped3A : memref<!tpu.dma_semaphore, #tpu.memory_space<semaphore_mem>>)
      %dma_wait3A_185 = arith.constant 96 : i32
      %dma_wait3A_186 = arith.constant 0 : i32
      %dma_wait3A_187 = tpu.memref_slice %arg5[%add3A_90, %dma_wait3A_185, %dma_wait3A_186] : memref<64x97x768xf32, #tpu.memory_space<hbm>> -> memref<1x1x768xf32, #tpu.memory_space<hbm>>
      %dma_wait3A_188 = tpu.memref_squeeze %dma_wait3A_187 : memref<1x1x768xf32, #tpu.memory_space<hbm>> -> memref<1x768xf32, #tpu.memory_space<hbm>>
      %dma_wait3A_189 = arith.constant 96 : i32
      %dma_wait3A_190 = arith.constant 0 : i32
      %dma_wait3A_191 = tpu.memref_slice %arg5[%add3A_90, %dma_wait3A_189, %dma_wait3A_190] : memref<64x97x768xf32, #tpu.memory_space<hbm>> -> memref<1x1x768xf32, #tpu.memory_space<hbm>>
      %dma_wait3A_192 = tpu.memref_squeeze %dma_wait3A_191 : memref<1x1x768xf32, #tpu.memory_space<hbm>> -> memref<1x768xf32, #tpu.memory_space<hbm>>
      tpu.wait_dma2 semaphore(%run_scoped3A : memref<!tpu.dma_semaphore, #tpu.memory_space<semaphore_mem>>) src(%arg9 : memref<1x768xf32, #tpu.memory_space<vmem>>) dst(%dma_wait3A_192 : memref<1x768xf32, #tpu.memory_space<hbm>>)
      tpu.yield
    }) : () -> ()
    return
  }
}

module attributes {stable_mosaic.version = 14 : i64} {
  func.func @_select_body(%arg0: memref<64x576xi32, #tpu.memory_space<vmem>>, %arg1: memref<64x96xi32, #tpu.memory_space<vmem>>) attributes {dimension_semantics = [], scalar_prefetch = 0 : i64, scratch_operands = 0 : i64, tpu.core_type = #tpu.core_type<tc>} {
    %get3A = arith.constant 0 : index
    %get3A_0 = arith.constant 0 : index
    %get3A_1 = vector.load %arg0[%get3A, %get3A_0] : memref<64x576xi32, #tpu.memory_space<vmem>>, vector<64x576xi32>
    %broadcast_in_dim3A = arith.constant 0 : i32
    %broadcast_in_dim3A_2 = vector.broadcast %broadcast_in_dim3A : i32 to vector<64x1xi32>
    %scan3A = arith.constant 0 : i32
    %scan3A_3 = arith.constant 32 : i32
    %scan3A_4 = arith.addi %scan3A, %scan3A_3 : i32
    %scan3A_5 = arith.constant 1 : i32
    %scan3A_6 = scf.for %scan3A_38 = %scan3A to %scan3A_4 step %scan3A_5 iter_args(%scan3A_39 = %broadcast_in_dim3A_2) -> (vector<64x1xi32>)  : i32 {
      %sub3A_40 = arith.constant 31 : i32
      %sub3A_41 = arith.subi %sub3A_40, %scan3A_38 : i32
      %shift_left3A = arith.constant 1 : i32
      %shift_left3A_42 = arith.shli %shift_left3A, %sub3A_41 : i32
      %or3A_43 = vector.broadcast %shift_left3A_42 : i32 to vector<64x1xi32>
      %or3A_44 = arith.ori %scan3A_39, %or3A_43 : vector<64x1xi32>
      %ge3A = vector.broadcast %or3A_44 : vector<64x1xi32> to vector<64x576xi32>
      %ge3A_45 = arith.cmpi uge, %get3A_1, %ge3A : vector<64x576xi32>
      %convert_element_type3A_46 = arith.extui %ge3A_45 : vector<64x576xi1> to vector<64x576xi32>
      %reduce_sum3A_47 = arith.constant dense<0> : vector<64xi32>
      %reduce_sum3A_48 = vector.multi_reduction <add>, %convert_element_type3A_46, %reduce_sum3A_47 [1] : vector<64x576xi32> to vector<64xi32>
      %broadcast_in_dim3A_49 = vector.shape_cast %reduce_sum3A_48 : vector<64xi32> to vector<64x1xi32>
      %ge3A_50 = arith.constant 96 : i32
      %ge3A_51 = vector.broadcast %ge3A_50 : i32 to vector<64x1xi32>
      %ge3A_52 = arith.cmpi sge, %broadcast_in_dim3A_49, %ge3A_51 : vector<64x1xi32>
      %select_n3A = arith.select %ge3A_52, %or3A_44, %scan3A_39 : vector<64x1xi1>, vector<64x1xi32>
      scf.yield %select_n3A : vector<64x1xi32>
    }
    %scan3A_7 = arith.constant 32 : i32
    %gt3A = vector.broadcast %scan3A_6 : vector<64x1xi32> to vector<64x576xi32>
    %gt3A_8 = arith.cmpi ugt, %get3A_1, %gt3A : vector<64x576xi32>
    %eq3A = vector.broadcast %scan3A_6 : vector<64x1xi32> to vector<64x576xi32>
    %eq3A_9 = arith.cmpi eq, %get3A_1, %eq3A : vector<64x576xi32>
    %convert_element_type3A = arith.extui %gt3A_8 : vector<64x576xi1> to vector<64x576xi32>
    %reduce_sum3A = arith.constant dense<0> : vector<64xi32>
    %reduce_sum3A_10 = vector.multi_reduction <add>, %convert_element_type3A, %reduce_sum3A [1] : vector<64x576xi32> to vector<64xi32>
    %broadcast_in_dim3A_11 = vector.shape_cast %reduce_sum3A_10 : vector<64xi32> to vector<64x1xi32>
    %sub3A = arith.constant 96 : i32
    %sub3A_12 = vector.broadcast %sub3A : i32 to vector<64x1xi32>
    %sub3A_13 = arith.subi %sub3A_12, %broadcast_in_dim3A_11 : vector<64x1xi32>
    %iota3A = tpu.iota {dimensions = array<i32: 0>} : vector<576x576xi32>
    %iota3A_14 = tpu.iota {dimensions = array<i32: 1>} : vector<576x576xi32>
    %le3A = arith.cmpi sle, %iota3A, %iota3A_14 : vector<576x576xi32>
    %convert_element_type3A_15 = arith.extui %le3A : vector<576x576xi1> to vector<576x576xi32>
    %convert_element_type3A_16 = arith.sitofp %convert_element_type3A_15 : vector<576x576xi32> to vector<576x576xf32>
    %convert_element_type3A_17 = arith.extui %eq3A_9 : vector<64x576xi1> to vector<64x576xi32>
    %convert_element_type3A_18 = arith.sitofp %convert_element_type3A_17 : vector<64x576xi32> to vector<64x576xf32>
    %dot_general3A = arith.constant dense<0.000000e+00> : vector<64x576xf32>
    %dot_general3A_19 = tpu.matmul %convert_element_type3A_18, %convert_element_type3A_16, %dot_general3A {dimension_numbers = #tpu.dot_dimension_numbers<[1], [0], [0], [1], [0, 0, 1, 1], [], []>, transpose_lhs_hint = false} : vector<64x576xf32>, vector<576x576xf32>, vector<64x576xf32> -> vector<64x576xf32>
    %convert_element_type3A_20 = arith.sitofp %sub3A_13 : vector<64x1xi32> to vector<64x1xf32>
    %le3A_21 = vector.broadcast %convert_element_type3A_20 : vector<64x1xf32> to vector<64x576xf32>
    %le3A_22 = arith.cmpf ole, %dot_general3A_19, %le3A_21 : vector<64x576xf32>
    %and3A = arith.andi %eq3A_9, %le3A_22 : vector<64x576xi1>
    %or3A = arith.ori %gt3A_8, %and3A : vector<64x576xi1>
    %convert_element_type3A_23 = arith.extui %or3A : vector<64x576xi1> to vector<64x576xi32>
    %convert_element_type3A_24 = arith.sitofp %convert_element_type3A_23 : vector<64x576xi32> to vector<64x576xf32>
    %dot_general3A_25 = arith.constant dense<0.000000e+00> : vector<64x576xf32>
    %dot_general3A_26 = tpu.matmul %convert_element_type3A_24, %convert_element_type3A_16, %dot_general3A_25 {dimension_numbers = #tpu.dot_dimension_numbers<[1], [0], [0], [1], [0, 0, 1, 1], [], []>, transpose_lhs_hint = false} : vector<64x576xf32>, vector<576x576xf32>, vector<64x576xf32> -> vector<64x576xf32>
    %iota3A_27 = tpu.iota {dimensions = array<i32: 1>} : vector<1x96x1xi32>
    %convert_element_type3A_28 = arith.fptosi %dot_general3A_26 : vector<64x576xf32> to vector<64x576xi32>
    %broadcast_in_dim3A_29 = vector.shape_cast %convert_element_type3A_28 : vector<64x576xi32> to vector<64x1x576xi32>
    %le3A_30 = vector.broadcast %broadcast_in_dim3A_29 : vector<64x1x576xi32> to vector<64x96x576xi32>
    %le3A_31 = vector.broadcast %iota3A_27 : vector<1x96x1xi32> to vector<64x96x576xi32>
    %le3A_32 = arith.cmpi sle, %le3A_30, %le3A_31 : vector<64x96x576xi32>
    %convert_element_type3A_33 = arith.extui %le3A_32 : vector<64x96x576xi1> to vector<64x96x576xi32>
    %reduce_sum3A_34 = arith.constant dense<0> : vector<64x96xi32>
    %reduce_sum3A_35 = vector.multi_reduction <add>, %convert_element_type3A_33, %reduce_sum3A_34 [2] : vector<64x96x576xi32> to vector<64x96xi32>
    %swap3A = arith.constant 0 : index
    %swap3A_36 = arith.constant 0 : index
    %swap3A_37 = vector.load %arg1[%swap3A, %swap3A_36] : memref<64x96xi32, #tpu.memory_space<vmem>>, vector<64x96xi32>
    tpu.vector_store %arg1[%swap3A, %swap3A_36], %reduce_sum3A_35 {strides = array<i32>} : memref<64x96xi32, #tpu.memory_space<vmem>>, vector<64x96xi32>,
    return
  }
}

module attributes {stable_mosaic.version = 14 : i64} {
  func.func @_scores_body(%arg0: i32, %arg1: memref<8x576x768xf32, #tpu.memory_space<vmem>>, %arg2: memref<8x77x768xf32, #tpu.memory_space<vmem>>, %arg3: memref<1536x256xf32, #tpu.memory_space<vmem>>, %arg4: memref<256xf32, #tpu.memory_space<vmem>>, %arg5: memref<256x1xf32, #tpu.memory_space<vmem>>, %arg6: memref<8x576xi32, #tpu.memory_space<vmem>>) attributes {dimension_semantics = [#tpu.dimension_semantics<arbitrary>], iteration_bounds = array<i64: 8>, scalar_prefetch = 0 : i64, scratch_operands = 0 : i64, tpu.core_type = #tpu.core_type<tc>, window_params = [{transform_indices = @transform_0, window_bounds = array<i64: 8, 576, 768>}, {transform_indices = @transform_1, window_bounds = array<i64: 8, 77, 768>}, {pipeline_mode = #tpu.pipeline_mode<synchronous>, transform_indices = @transform_2, window_bounds = array<i64: 1536, 256>}, {pipeline_mode = #tpu.pipeline_mode<synchronous>, transform_indices = @transform_3, window_bounds = array<i64: 256>}, {pipeline_mode = #tpu.pipeline_mode<synchronous>, transform_indices = @transform_4, window_bounds = array<i64: 256, 1>}, {transform_indices = @transform_5, window_bounds = array<i64: 8, 576>}]} {
    %get3A = arith.constant 0 : index
    %get3A_0 = arith.constant 0 : index
    %get3A_1 = arith.constant 0 : index
    %get3A_2 = vector.load %arg1[%get3A, %get3A_0, %get3A_1] : memref<8x576x768xf32, #tpu.memory_space<vmem>>, vector<8x576x768xf32>
    %get3A_3 = arith.constant 0 : index
    %get3A_4 = arith.constant 0 : index
    %get3A_5 = arith.constant 0 : index
    %get3A_6 = vector.load %arg2[%get3A_3, %get3A_4, %get3A_5] : memref<8x77x768xf32, #tpu.memory_space<vmem>>, vector<8x77x768xf32>
    %reduce_sum3A = arith.constant dense<0.000000e+00> : vector<8x768xf32>
    %reduce_sum3A_7 = vector.multi_reduction <add>, %get3A_6, %reduce_sum3A [1] : vector<8x77x768xf32> to vector<8x768xf32>
    %div3A = arith.constant 7.700000e+01 : f32
    %div3A_8 = vector.broadcast %div3A : f32 to vector<8x768xf32>
    %div3A_9 = arith.divf %reduce_sum3A_7, %div3A_8 : vector<8x768xf32>
    %reshape3A = vector.shape_cast %get3A_2 : vector<8x576x768xf32> to vector<4608x768xf32>
    %get3A_10 = arith.constant 0 : index
    %get3A_11 = arith.constant 0 : index
    %get3A_12 = vector.load %arg3[%get3A_10, %get3A_11] : memref<1536x256xf32, #tpu.memory_space<vmem>>, vector<768x256xf32>
    %dot_general3A = arith.constant dense<0.000000e+00> : vector<4608x256xf32>
    %dot_general3A_13 = tpu.matmul %reshape3A, %get3A_12, %dot_general3A {dimension_numbers = #tpu.dot_dimension_numbers<[1], [0], [0], [1], [0, 0, 1, 1], [], []>, transpose_lhs_hint = false} : vector<4608x768xf32>, vector<768x256xf32>, vector<4608x256xf32> -> vector<4608x256xf32>
    %reshape3A_14 = vector.shape_cast %dot_general3A_13 : vector<4608x256xf32> to vector<8x576x256xf32>
    %get3A_15 = arith.constant 768 : index
    %get3A_16 = arith.constant 0 : index
    %get3A_17 = vector.load %arg3[%get3A_15, %get3A_16] : memref<1536x256xf32, #tpu.memory_space<vmem>>, vector<768x256xf32>
    %dot_general3A_18 = arith.constant dense<0.000000e+00> : vector<8x256xf32>
    %dot_general3A_19 = tpu.matmul %div3A_9, %get3A_17, %dot_general3A_18 {dimension_numbers = #tpu.dot_dimension_numbers<[1], [0], [0], [1], [0, 0, 1, 1], [], []>, transpose_lhs_hint = false} : vector<8x768xf32>, vector<768x256xf32>, vector<8x256xf32> -> vector<8x256xf32>
    %broadcast_in_dim3A = vector.shape_cast %dot_general3A_19 : vector<8x256xf32> to vector<8x1x256xf32>
    %add3A = vector.broadcast %broadcast_in_dim3A : vector<8x1x256xf32> to vector<8x576x256xf32>
    %add3A_20 = arith.addf %reshape3A_14, %add3A : vector<8x576x256xf32>
    %get3A_21 = arith.constant 0 : index
    %get3A_22 = vector.load %arg4[%get3A_21] : memref<256xf32, #tpu.memory_space<vmem>>, vector<256xf32>
    %broadcast_in_dim3A_23 = vector.shape_cast %get3A_22 : vector<256xf32> to vector<1x1x256xf32>
    %add3A_24 = vector.broadcast %broadcast_in_dim3A_23 : vector<1x1x256xf32> to vector<8x576x256xf32>
    %add3A_25 = arith.addf %add3A_20, %add3A_24 : vector<8x576x256xf32>
    %max3A = arith.constant 0.000000e+00 : f32
    %max3A_26 = vector.broadcast %max3A : f32 to vector<8x576x256xf32>
    %max3A_27 = arith.maximumf %add3A_25, %max3A_26 : vector<8x576x256xf32>
    %reshape3A_28 = vector.shape_cast %max3A_27 : vector<8x576x256xf32> to vector<4608x256xf32>
    %get3A_29 = arith.constant 0 : index
    %get3A_30 = arith.constant 0 : index
    %get3A_31 = vector.load %arg5[%get3A_29, %get3A_30] : memref<256x1xf32, #tpu.memory_space<vmem>>, vector<256x1xf32>
    %dot_general3A_32 = arith.constant dense<0.000000e+00> : vector<4608x1xf32>
    %dot_general3A_33 = tpu.matmul %reshape3A_28, %get3A_31, %dot_general3A_32 {dimension_numbers = #tpu.dot_dimension_numbers<[1], [0], [0], [1], [0, 0, 1, 1], [], []>, transpose_lhs_hint = false} : vector<4608x256xf32>, vector<256x1xf32>, vector<4608x1xf32> -> vector<4608x1xf32>
    %reshape3A_34 = vector.shape_cast %dot_general3A_33 : vector<4608x1xf32> to vector<8x576xf32>
    %bitcast_convert_type3A = tpu.bitcast %reshape3A_34 : vector<8x576xf32> -> vector<8x576xi32>
    %shift_right_logical3A = arith.constant 31 : i32
    %shift_right_logical3A_35 = vector.broadcast %shift_right_logical3A : i32 to vector<8x576xi32>
    %shift_right_logical3A_36 = arith.shrui %bitcast_convert_type3A, %shift_right_logical3A_35 : vector<8x576xi32>
    %eq3A = arith.constant 1 : i32
    %eq3A_37 = vector.broadcast %eq3A : i32 to vector<8x576xi32>
    %eq3A_38 = arith.cmpi eq, %shift_right_logical3A_36, %eq3A_37 : vector<8x576xi32>
    %not3A = arith.constant dense<-1> : vector<8x576xi32>
    %not3A_39 = arith.xori %bitcast_convert_type3A, %not3A : vector<8x576xi32>
    %or3A = arith.constant -2147483648 : i32
    %or3A_40 = vector.broadcast %or3A : i32 to vector<8x576xi32>
    %or3A_41 = arith.ori %bitcast_convert_type3A, %or3A_40 : vector<8x576xi32>
    %select_n3A = arith.select %eq3A_38, %not3A_39, %or3A_41 : vector<8x576xi1>, vector<8x576xi32>
    %swap3A = arith.constant 0 : index
    %swap3A_42 = arith.constant 0 : index
    %swap3A_43 = vector.load %arg6[%swap3A, %swap3A_42] : memref<8x576xi32, #tpu.memory_space<vmem>>, vector<8x576xi32>
    tpu.vector_store %arg6[%swap3A, %swap3A_42], %select_n3A {strides = array<i32>} : memref<8x576xi32, #tpu.memory_space<vmem>>, vector<8x576xi32>,
    return
  }
  func.func @transform_0(%arg0: i32) -> (i32, i32, i32) {
    %add3A = arith.constant 0 : i32
    %add3A_0 = arith.addi %arg0, %add3A : i32
    %c0_i32 = arith.constant 0 : i32
    %c0_i32_1 = arith.constant 0 : i32
    %c0_i32_2 = arith.constant 0 : i32
    return %add3A_0, %c0_i32, %c0_i32_1 : i32, i32, i32
  }
  func.func @transform_1(%arg0: i32) -> (i32, i32, i32) {
    %add3A = arith.constant 0 : i32
    %add3A_0 = arith.addi %arg0, %add3A : i32
    %c0_i32 = arith.constant 0 : i32
    %c0_i32_1 = arith.constant 0 : i32
    %c0_i32_2 = arith.constant 0 : i32
    return %add3A_0, %c0_i32, %c0_i32_1 : i32, i32, i32
  }
  func.func @transform_2(%arg0: i32) -> (i32, i32) {
    %c0_i32 = arith.constant 0 : i32
    %c0_i32_0 = arith.constant 0 : i32
    %c0_i32_1 = arith.constant 0 : i32
    return %c0_i32, %c0_i32_0 : i32, i32
  }
  func.func @transform_3(%arg0: i32) -> i32 {
    %c0_i32 = arith.constant 0 : i32
    %c0_i32_0 = arith.constant 0 : i32
    return %c0_i32 : i32
  }
  func.func @transform_4(%arg0: i32) -> (i32, i32) {
    %c0_i32 = arith.constant 0 : i32
    %c0_i32_0 = arith.constant 0 : i32
    %c0_i32_1 = arith.constant 0 : i32
    return %c0_i32, %c0_i32_0 : i32, i32
  }
  func.func @transform_5(%arg0: i32) -> (i32, i32) {
    %c0_i32 = arith.constant 0 : i32
    %c0_i32_0 = arith.constant 0 : i32
    return %arg0, %c0_i32 : i32, i32
  }
}

</mosaic_0001>

<sc_bundles>
// kernel: kernel.5.cloned.1.call-start
scs
__scs_entry_jumppad:
0x0: {  	(pc) =	sbr.rel $0x88, $3  }
0x1: {  	(tag) =	ssettag $0x0;
	lr =	simm.s32 $0x1  }
0x2: {  	[smem:$0x3F9B] =	sst lr;
	_ =	strace $0xD0000000  }
0x3: {  	_ = 	snop  }
0x4: {  	_ = 	snop  }
0x5: {  	_ = 	snop  }
0x6: {  	_ = 	snop  }
0x7: {  	_ = 	snop  }
__scs_overlays_trampoline_lowered:
0x8: {  	[smem:$0x3FAA] =	sst s0  }
0x9: {  	[smem:$0x3FAB] =	sst s1  }
0xa: {  	[smem:$0x3FAC] =	sst s2  }
0xb: {  	[smem:$0x3FAD] =	sst s3  }
0xc: {  	[smem:$0x3FAE] =	sst s4  }
0xd: {  	[smem:$0x3FAF] =	sst s5  }
0xe: {  	[smem:$0x3FB0] =	sst s6  }
0xf: {  	[smem:$0x3FB1] =	sst s7  }
0x10: {  	[smem:$0x3FB2] =	sst s8  }
0x11: {  	[smem:$0x3FB3] =	sst s9;
	s0 =	simm.s32 @!p0 $0x0  }
0x12: {  	s1 =	sld [smem:$0x3F99];
	s0 =	simm.s32 @p0 $0x1  }
0x13: {  	[smem:$0x3FB4] =	sst s0;
	s0 =	simm.s32 @!p1 $0x0  }
0x14: {  	s2 =	sld [smem:$0x3F98];
	s0 =	simm.s32 @p1 $0x1  }
0x15: {  	[smem:$0x3FB5] =	sst s0;
	s0 =	simm.s32 @!p2 $0x0  }
0x16: {  	s3 =	sld [smem:$0x3FDB];
	s0 =	simm.s32 @p2 $0x1  }
0x17: {  	s4 =	simm.s32 $0x1BF5;
	[smem:$0x3FB7] =	sst s0  }
0x18: {  	s0 =	sld [smem:$0x3F9A];
	_ =	swait.ge [sflag:s4], $0x0  }
0x19: {  	s7 =	sld [smem:$0x3F9B]  }
0x1a: {  	s8 =	sadd.s32 $0xFFFFE003, lr  }
0x1b: {  	s9 =	sadd.s32 $0xFFFFFEF7, lr;
	s5 =	simm.s32 $0xFFFFFFFF;
	p2 =	slt.u32 s8, $0xFFFFF086  }
0x1c: {  	p1 =	slt.u32 s9, $0xF7A;
	s5 =	simm.s32 @!p2 $0x0  }
0x1d: {  	s5 =	simm.s32 @p1 $0x1;
	p0 =	seq.s32 s7, s2  }
0x1e: {  	s7 =	smul.u32 @!p0 $0xF7A, s2;
	p2 =	seq.s32 @!p0 s5, $0x0  }
0x1f: {  	s9 =	smul.u32 $0xF7A, s1;
	s8 =	simm.s32 @!p0 $0x1BF5;
	p2 =	por !p2, p0  }
0x20: {  	[sflag:s8] =	ssyncset.s32 @!p0 $0xFFFFF086;
	s6 =	sadd.s32 @!p0 s3, s7;
	s7 =	simm.s32 @!p0 $0x108  }
0x21: {  	s3 =	sadd.s32 s3, s9;
	s6 =	sadd.s32 @!p0 $0x88, s6;
	s7 =	simm.s32 @p2 $0x1082  }
0x22: {  	[simem:s7], [sflag:s8] =	dma.local @!p0 [hbm:s6], $0xF7A  }
0x23: {  	s9 =	sor.u32 $0xD0000000, s2;
	s6 =	simm.s32 $0x108;
	_ =	swait.ge @!p0 [sflag:s8], $0x0  }
0x24: {  	s3 =	sadd.s32 $0x88, s3;
	s6 =	simm.s32 @!p1 $0x1082;
	[sflag:s4] =	ssyncset.s32 $0xFFFFF086  }
0x25: {  	[simem:s6], [sflag:s4] =	dma.local [hbm:s3], $0xF7A  }
0x26: {  	[smem:$0x3F9B] =	sst s1;
	(tag) =	ssettag s2;
	_ =	strace s9  }
0x27: {  	s1 =	sld [smem:$0x3FAB]  }
0x28: {  	s2 =	sld [smem:$0x3FAC]  }
0x29: {  	s4 =	sld [smem:$0x3FAE]  }
0x2a: {  	p0 =	seq.s32 s5, $0x0;
	s5 =	sld [smem:$0x3FAF]  }
0x2b: {  	s6 =	sld [smem:$0x3FB0]  }
0x2c: {  	s7 =	sld [smem:$0x3FB1]  }
0x2d: {  	s3 =	simm.s32 $0x108;
	s8 =	sld [smem:$0x3FB2]  }
0x2e: {  	s3 =	simm.s32 @!p0 $0x1082;
	s9 =	sld [smem:$0x3FB3]  }
0x2f: {  	lr =	sadd.s32 s0, s3;
	s0 =	sld [smem:$0x3FAA]  }
0x30: {  	s3 =	sld [smem:$0x3FAD]  }
0x31: {  	[smem:$0x3FB6] =	sst s10  }
0x32: {  	s10 =	sld [smem:$0x3FB4];
	_ =	sdelay $0x3  }
0x33: {  	p0 =	seq.s32 s10, $0x1;
	s10 =	sld [smem:$0x3FB6];
	_ =	sdelay $0x3  }
0x34: {  	[smem:$0x3FB6] =	sst s10  }
0x35: {  	s10 =	sld [smem:$0x3FB5];
	_ =	sdelay $0x3  }
0x36: {  	p1 =	seq.s32 s10, $0x1;
	s10 =	sld [smem:$0x3FB6];
	_ =	sdelay $0x3  }
0x37: {  	[smem:$0x3FB6] =	sst s10  }
0x38: {  	s10 =	sld [smem:$0x3FB7]  }
0x39: {  	_ = 	snop;
	(pc) =	sbr.ind lr, $3  }
0x3a: {  	_ = 	snop  }
0x3b: {  	_ = 	snop  }
0x3c: {  	p2 =	seq.s32 s10, $0x1;
	s10 =	sld [smem:$0x3FB6]  }
0x3d: {  	_ =	shalt  }
0x3e: {  	_ =	shalt  }
0x3f: {  	_ =	shalt  }
0x40: {  	_ =	shalt  }
0x41: {  	_ =	shalt  }
0x42: {  	_ =	shalt  }
0x43: {  	_ =	shalt  }
0x44: {  	_ =	shalt  }
0x45: {  	_ =	shalt  }
0x46: {  	_ =	shalt  }
0x47: {  	_ =	shalt  }
0x48: {  	_ =	shalt  }
0x49: {  	_ =	shalt  }
0x4a: {  	_ =	shalt  }
0x4b: {  	_ =	shalt  }
0x4c: {  	_ =	shalt  }
0x4d: {  	_ =	shalt  }
0x4e: {  	_ =	shalt  }
0x4f: {  	_ =	shalt  }
0x50: {  	_ =	shalt  }
0x51: {  	_ =	shalt  }
0x52: {  	_ =	shalt  }
0x53: {  	_ =	shalt  }
0x54: {  	_ =	shalt  }
0x55: {  	_ =	shalt  }
0x56: {  	_ =	shalt  }
0x57: {  	_ =	shalt  }
0x58: {  	_ =	shalt  }
0x59: {  	_ =	shalt  }
0x5a: {  	_ =	shalt  }
0x5b: {  	_ =	shalt  }
0x5c: {  	_ =	shalt  }
0x5d: {  	_ =	shalt  }
0x5e: {  	_ =	shalt  }
0x5f: {  	_ =	shalt  }
0x60: {  	_ =	shalt  }
0x61: {  	_ =	shalt  }
0x62: {  	_ =	shalt  }
0x63: {  	_ =	shalt  }
0x64: {  	_ =	shalt  }
0x65: {  	_ =	shalt  }
0x66: {  	_ =	shalt  }
0x67: {  	_ =	shalt  }
0x68: {  	_ =	shalt  }
0x69: {  	_ =	shalt  }
0x6a: {  	_ =	shalt  }
0x6b: {  	_ =	shalt  }
0x6c: {  	_ =	shalt  }
0x6d: {  	_ =	shalt  }
0x6e: {  	_ =	shalt  }
0x6f: {  	_ =	shalt  }
0x70: {  	_ =	shalt  }
0x71: {  	_ =	shalt  }
0x72: {  	_ =	shalt  }
0x73: {  	_ =	shalt  }
0x74: {  	_ =	shalt  }
0x75: {  	_ =	shalt  }
0x76: {  	_ =	shalt  }
0x77: {  	_ =	shalt  }
0x78: {  	_ =	shalt  }
0x79: {  	_ =	shalt  }
0x7a: {  	_ =	shalt  }
0x7b: {  	_ =	shalt  }
0x7c: {  	_ =	shalt  }
0x7d: {  	_ =	shalt  }
0x7e: {  	_ =	shalt  }
0x7f: {  	_ =	shalt  }
0x80: {  	_ =	shalt  }
0x81: {  	_ =	shalt  }
0x82: {  	_ =	shalt  }
0x83: {  	_ =	shalt  }
0x84: {  	_ =	shalt  }
0x85: {  	_ =	shalt  }
0x86: {  	_ =	shalt  }
0x87: {  	_ =	shalt  }
.Lfunc_end0:
.L_simem_size_0:
called_computation_lowered:
.L_overlay_start_0:
0x88: {  	s2 =	sld [smem:$0x3FD9]  }
0x89: {  	s3 =	sld [smem:$0x3FFE];
	_ =	sdelay $0x1  }
0x8a: {  	s1 =	srdreg.scid  }
0x8b: {  	s0 =	sand.u32 $0x1, s1  }
0x8c: {  	s14 =	sshll.u32 s0, $0xA;
	s2 =	sadd.s32 s3, s2  }
0x8d: {  	s2 =	sadd.s32 s2, s14  }
0x8e: {  	[smem:$0x3FC2] =	sst s2  }
0x8f: {  	_ = 	snop  }
0x90: {  	s2 =	sld [smem:$0x3FD0];
	_ =	sdelay $0x1  }
0x91: {  	s15 =	sld [smem:$0x3FC9]  }
0x92: {  	s5 =	simm.s32 $0xA;
	s6 =	simm.s32 $0x10;
	s4 =	sld [smem:$0x3FC4]  }
0x93: {  	[smem:s6], [sflag:s5] =	dma.local [hbm:s2], $0x1  }
0x94: {  	_ =	swait.eq [sflag:s5], $0x1  }
0x95: {  	[sflag:s5] =	ssyncset.done $0x0  }
0x96: {  	[sflag:s5] =	ssyncadd.s32 $0xFFFFFFFF  }
0x97: {  	s16 =	sld [smem:$0x10];
	(tm) =	ssettm $0x1  }
0x98: {  	s17 =	sld [smem:$0x3FFB];
	_ =	sdelay $0x3  }
0x99: {  	_ =	strace s17  }
0x9a: {  	s5 =	sld [smem:$0x3FFC];
	_ =	sdelay $0x3  }
0x9b: {  	_ =	strace s5  }
0x9c: {  	s5 =	sld [smem:$0x3FFD];
	_ =	sdelay $0x3  }
0x9d: {  	_ =	strace s5  }
0x9e: {  	_ =	strace $0x8FFFFFFF  }
0x9f: {  	s18 =	sld [smem:$0x3FDB];
	_ =	sdelay $0x1  }
0xa0: {  	s19 =	simm.s32 $_scs_section_size  }
0xa1: {  	s7 =	simm.s32 $_size__tile_overlayer_lowered;
	s8 =	simm.s32 $_tile_overlayer_lowered  }
0xa2: {  	s22 =	simm.s32 $0x1BFF;
	s21 =	sshll.u32 s8, $0x1;
	s5 =	sadd.s32 s19, s18  }
0xa3: {  	s9 =	simm.s32 $0x0;
	s20 =	sshll.u32 s7, $0x1;
	s7 =	sadd.s32 s21, s5  }
0xa4: {  	[timem:s9], [sflag:s22] =	dma.local [hbm:s7], s20  }
0xa5: {  	_ =	swait.ge [sflag:s22], s20  }
0xa6: {  	s6 =	ssub.s32 $0x0, s20;
	[sflag:s22] =	ssyncset.done $0x0  }
0xa7: {  	[sflag:s22] =	ssyncadd.s32 s6;
	_ =	sdelay $0x1  }
0xa8: {  	s23 =	simm.s32 $0x1B8B  }
0xa9: {  	_ =	swait.ge [sflag:s23], $0x1  }
0xaa: {  	[sflag:s23] =	ssyncset.done $0x0  }
0xab: {  	s25 =	simm.s32 $0x1B8E;
	s24 =	sld [smem:$0x3FFE];
	[sflag:s23] =	ssyncadd.s32 $0xFFFFFFFF  }
0xac: {  	s26 =	simm.s32 $execute0_lowered;
	[smem:$0x3FD2] =	sst s25  }
0xad: {  	s7 =	sshll.u32 s26, $0x1;
	_ =	strace $0x80000046;
	[dreg:$0x1] =	wrdreg $0xFFFFFFFF  }
0xae: {  	s28 =	simm.s32 $_size_execute0_lowered;
	s5 =	sadd.s32 s5, s7;
	[dreg:$0x0] =	wrdreg $0x0  }
0xaf: {  	s7 =	sshll.u32 s28, $0x1;
	[dreg:$0x2] =	wrdreg s5  }
0xb0: {  	[dreg:$0x3] =	wrdreg s7  }
0xb1: {  	[dreg:$0x4] =	wrdreg $0xC0  }
0xb2: {  	_ =	task [dreg:s9], $0x5FFFF  }
0xb3: {  	[dreg:$0x1] =	wrdreg $0xFFFFFFFF  }
0xb4: {  	[dreg:$0x0] =	wrdreg $0x60  }
0xb5: {  	[dreg:$0x2] =	wrdreg s15  }
0xb6: {  	[dreg:$0x3] =	wrdreg s16  }
0xb7: {  	[dreg:$0x4] =	wrdreg s4  }
0xb8: {  	[dreg:$0x5] =	wrdreg s24  }
0xb9: {  	[dreg:$0x6] =	wrdreg $0x9  }
0xba: {  	_ =	task.clear_ibuf [dreg:s9], $0x7FFFF;
	_ =	strace $0x90000046  }
0xbb: {  	s29 =	simm.s32 $0x9;
	_ =	strace $0x80000048  }
0xbc: {  	_ =	swait.ge [sflag:s29], $0x1  }
0xbd: {  	[sflag:s29] =	ssyncadd.s32 $0xFFFFFFFF  }
0xbe: {  	_ =	strace $0x90000048  }
0xbf: {  	_ =	sfence  }
0xc0: {  	s30 =	sld [smem:$0x0];
	_ =	sdelay $0x2  }
0xc1: {  	s31 =	sshll.u32 s1, $0xD;
	s1 =	sshrl.u32 s1, $0x2  }
0xc2: {  	s3 =	sand.u32 $0x4000, s31;
	s1 =	sadd.s32 s1, s30  }
0xc3: {  	s0 =	sor.u32 s3, s0;
	s1 =	sshll.u32 s1, $0x11  }
0xc4: {  	s0 =	sor.u32 s1, s0  }
0xc5: {  	s0 =	sadd.s32 $0x8F2B, s0  }
0xc6: {  	[sflag:s0] =	ssyncadd.remote.s32 $0x1  }
0xc7: {  	_ =	sfence.sel $0xFFFF  }
0xc8: {  	[dreg:$0x0] =	wrdreg $0xFFFFFFFF;
	(pc) =	sbr.abs _section_cstart, $3  }
0xc9: {  	[dreg:$0x1] =	wrdreg $0xFFFFFFFF  }
0xca: {  	_ =	task.clear_ibuf [dreg:s9], $0x2FFFF;
	_ =	strace $0x9FFFFFFF  }
0xcb: {  	(tm) =	ssettm $0x7FFFFFFF  }
tec
execute0_lowered:
.L_overlay_start_1:
0x0: {  	(tag) =	ssettag $0x1  }
0x1: {  	s0 =	rddreg [dreg:$0x0]  }
0x2: {  	s1 =	rddreg [dreg:$0x1]  }
0x3: {  	s2 =	rddreg [dreg:$0x2]  }
0x4: {  	s20 =	srdreg.scid;
	s3 =	stileid.u32  }
0x5: {  	s4 =	rddreg [dreg:$0x3];
	s28 =	simm.s32 $0x900;
	s29 =	simm.s32 $0x1100  }
0x6: {  	s30 =	simm.s32 $0x1900;
	s31 =	simm.s32 $0x2100;
	s10 =	simm.s32 $0x3100  }
0x7: {  	[dreg:$0x5] =	wrdreg s2;
	s2 =	sand.u32 $0x1, s20;
	s5 =	sshll.u32 s3, $0x1  }
0x8: {  	s11 =	simm.s32 $0x3900;
	s12 =	simm.s32 $0x4100;
	s5 =	sor.u32 s2, s5  }
0x9: {  	s13 =	simm.s32 $0x4900;
	s14 =	simm.s32 $0x5100;
	s6 =	smul.u32 $0x18, s5  }
0xa: {  	s15 =	simm.s32 $0x5900;
	s16 =	simm.s32 $0x6900;
	s17 =	smul.u32 $0x480, s5  }
0xb: {  	s18 =	simm.s32 $0x7900;
	s19 =	simm.s32 $0x8100;
	s21 =	smul.u32 $0x27000, s5  }
0xc: {  	s3 =	simm.s32 $0x0;
	s8 =	smul.u32 $0x4E00, s5;
	s9 =	sshllo.u32 s5, $0x1  }
0xd: {  	s4 =	sadd.s32 $0x800, s4;
	s2 =	ssub.s32 $0x2, s2;
	s23 =	smul.u32 $0x13800, s9  }
0xe: {  	[smem:$0x7FF] =	sst s3;
	s7 =	sshrl.u32 s2, $0x1;
	s25 =	smul.u32 $0xC, s9  }
0xf: {  	_ =	strace $0x80000047;
	s2 =	ssub.s32 s2, s7;
	s20 =	smul.u32 $0x240, s9  }
0x10: {  	s9 =	simm.s32 $0x2;
	s6 =	sadd.s32 s1, s6;
	s22 =	sshrl.u32 s21, $0x3  }
0x11: {  	s24 =	sadd.s32 s4, s8;
	s7 =	smax.u32 s2, $0x1;
	v0 =	vmov s17;
	s17 =	simm.s32 $0x7100  }
0x12: {  	s21 =	simm.s32 $0x9100;
	[dreg:$0x6] =	wrdreg s6;
	s5 =	sadd.s32 s4, s22  }
0x13: {  	[dreg:$0x7] =	wrdreg s24;
	s6 =	sshrl.u32 s23, $0x3;
	s1 =	sadd.s32 s1, s25  }
0x14: {  	v1 =	vmov s20;
	s23 =	simm.s32 $0x1;
	s20 =	simm.s32 $0x8900;
	s22 =	simm.s32 $0x9900  }
0x15: {  	s24 =	simm.s32 $0xA100;
	s5 =	sadd.s32 $0x2400, s5;
	[dreg:$0x9] =	wrdreg s1  }
0x16: {  	v4 =	vlaneseq.u32;
	s25 =	simm.s32 $0xA900;
	s4 =	sadd.s32 s4, s6;
	[dreg:$0x8] =	wrdreg s5  }
0x17: {  	vm0 =	vmmov $0xffff;
	v3 =	vshrl.u32 v4, $0x3;
	s6 =	sadd.s32 $0x200, s0;
	[dreg:$0xb] =	wrdreg s4;
	s26 =	sadd.s32 $0x2400, s4  }
0x18: {  	v2 =	vand.u32 $0x7, v4;
	v4 =	vor.u32 $0x8, v4;
	v3 =	vmul.u32 $0x8, v3;
	s5 =	sadd.s32 $0x100, s0;
	s4 =	simm.s32 $0x400;
	[dreg:$0xa] =	wrdreg s26  }
.LBB2_1:
0x19: {  	s26 =	rddreg [dreg:$0x5];
	s1 =	simm.s32 $0x12100  }
0x1a: {  	[tilespmem:s1], [sflag:$0x2] =	stream.linear.gather [hbm4b:s26+s3], $0x300, $0x38;
	[tilespmem:$0x12400] =	vst v63  }
0x1b: {  	_ =	swait.ge [sflag:s9], $0x300  }
0x1c: {  	[sflag:s9] =	ssyncset.done $0x0  }
0x1d: {  	s8 =	rddreg [dreg:$0x6];
	[sflag:s9] =	ssyncadd.s32 $0xFFFFFD00  }
0x1e: {  	[tilespmem:s3], [sflag:$0x2] =	stream.linear.gather [hbm4b:s8+s3], $0x60, $0x38;
	[tilespmem:$0x12400] =	vst v63  }
0x1f: {  	_ =	swait.ge [sflag:s9], $0x60  }
0x20: {  	[sflag:s9] =	ssyncset.done $0x0  }
0x21: {  	[sflag:s9] =	ssyncadd.s32 $0xFFFFFFA0  }
0x22: {  	v5 =	vld [tilespmem:$0x0];
	_ =	sdelay $0x4  }
0x23: {  	v6 =	vadd.s32 v0, v5  }
0x24: {  	v7 =	vld [tilespmem:$0x10];
	v8 =	vshrl.u32 v6, $0x3  }
0x25: {  	v9 =	vld [tilespmem:$0x20];
	v8 =	vmul.u32 $0x30, v8  }
0x26: {  	v10 =	vld [tilespmem:$0x30];
	v5 =	vand.u32 $0x7, v5  }
0x27: {  	v11 =	vld [tilespmem:$0x40];
	v5 =	vor.u32 v5, v8  }
0x28: {  	v57 =	vld [tilespmem:$0x50];
	v12 =	vperm.xlane v5, v2  }
0x29: {  	[tilespmem:$0x80] =	vst v6;
	v6 =	vadd.s32 v0, v7  }
0x2a: {  	[tilespmem:$0x90] =	vst v6;
	v6 =	vadd.s32 v0, v9;
	v7 =	vadd.s32 v3, v12  }
0x2b: {  	[tilespmem:$0xA0] =	vst v6;
	v6 =	vadd.s32 v0, v10  }
0x2c: {  	[tilespmem:$0xB0] =	vst v6;
	v6 =	vadd.s32 v0, v11  }
0x2d: {  	[tilespmem:$0xC0] =	vst v6;
	v6 =	vadd.s32 v0, v57  }
0x2e: {  	s1 =	simm.s32 $0x100;
	v5 =	vperm.xlane v5, v4;
	[tilespmem:$0xD0] =	vst v6  }
0x2f: {  	[tilespmem:s1], [sflag:$0x1] =	stream.indirect_vreg.gather [hbm4b:s0+s3], $0x80, v7, vm0, $0xb8;
	[tilespmem:$0x12400] =	vst v63  }
0x30: {  	v5 =	vadd.s32 v3, v5  }
0x31: {  	[tilespmem:s28], [sflag:$0x1] =	stream.indirect_vreg.gather [hbm4b:s5+s3], $0x80, v7, vm0, $0xb8;
	[tilespmem:$0x12400] =	vst v63  }
0x32: {  	_ = 	snop  }
0x33: {  	[tilespmem:s29], [sflag:$0x1] =	stream.indirect_vreg.gather [hbm4b:s6+s3], $0x80, v7, vm0, $0xb8;
	[tilespmem:$0x12400] =	vst v63  }
0x34: {  	_ = 	snop  }
0x35: {  	[tilespmem:s30], [sflag:$0x1] =	stream.indirect_vreg.gather [hbm4b:s0+s3], $0x80, v5, vm0, $0xb8;
	[tilespmem:$0x12400] =	vst v63  }
0x36: {  	_ = 	snop  }
0x37: {  	[tilespmem:s31], [sflag:$0x1] =	stream.indirect_vreg.gather [hbm4b:s5+s3], $0x80, v5, vm0, $0xb8;
	[tilespmem:$0x12400] =	vst v63  }
0x38: {  	s2 =	simm.s32 $0x2900  }
0x39: {  	[tilespmem:s2], [sflag:$0x1] =	stream.indirect_vreg.gather [hbm4b:s6+s3], $0x80, v5, vm0, $0xb8;
	[tilespmem:$0x12400] =	vst v63  }
0x3a: {  	v5 =	vld [tilespmem:$0x90];
	_ =	sdelay $0x4  }
0x3b: {  	v6 =	vshrl.u32 v5, $0x3  }
0x3c: {  	v6 =	vmul.u32 $0x30, v6  }
0x3d: {  	v5 =	vand.u32 $0x7, v5  }
0x3e: {  	v5 =	vor.u32 v5, v6  }
0x3f: {  	v6 =	vperm.xlane v5, v2;
	_ =	sdelay $0x1  }
0x40: {  	v6 =	vadd.s32 v3, v6;
	_ =	sdelay $0x3  }
0x41: {  	v5 =	vperm.xlane v5, v4  }
0x42: {  	[tilespmem:s10], [sflag:$0x1] =	stream.indirect_vreg.gather [hbm4b:s0+s3], $0x80, v6, vm0, $0xb8;
	[tilespmem:$0x12400] =	vst v63  }
0x43: {  	v5 =	vadd.s32 v3, v5  }
0x44: {  	[tilespmem:s11], [sflag:$0x1] =	stream.indirect_vreg.gather [hbm4b:s5+s3], $0x80, v6, vm0, $0xb8;
	[tilespmem:$0x12400] =	vst v63  }
0x45: {  	_ = 	snop  }
0x46: {  	[tilespmem:s12], [sflag:$0x1] =	stream.indirect_vreg.gather [hbm4b:s6+s3], $0x80, v6, vm0, $0xb8;
	[tilespmem:$0x12400] =	vst v63  }
0x47: {  	_ = 	snop  }
0x48: {  	[tilespmem:s13], [sflag:$0x1] =	stream.indirect_vreg.gather [hbm4b:s0+s3], $0x80, v5, vm0, $0xb8;
	[tilespmem:$0x12400] =	vst v63  }
0x49: {  	_ = 	snop  }
0x4a: {  	[tilespmem:s14], [sflag:$0x1] =	stream.indirect_vreg.gather [hbm4b:s5+s3], $0x80, v5, vm0, $0xb8;
	[tilespmem:$0x12400] =	vst v63  }
0x4b: {  	_ = 	snop  }
0x4c: {  	[tilespmem:s15], [sflag:$0x1] =	stream.indirect_vreg.gather [hbm4b:s6+s3], $0x80, v5, vm0, $0xb8;
	[tilespmem:$0x12400] =	vst v63  }
0x4d: {  	v5 =	vld [tilespmem:$0xA0];
	_ =	sdelay $0x4  }
0x4e: {  	v6 =	vshrl.u32 v5, $0x3  }
0x4f: {  	v6 =	vmul.u32 $0x30, v6  }
0x50: {  	v5 =	vand.u32 $0x7, v5  }
0x51: {  	v5 =	vor.u32 v5, v6  }
0x52: {  	v6 =	vperm.xlane v5, v2;
	_ =	sdelay $0x1  }
0x53: {  	v6 =	vadd.s32 v3, v6;
	_ =	sdelay $0x3  }
0x54: {  	s26 =	simm.s32 $0x6100;
	v5 =	vperm.xlane v5, v4  }
0x55: {  	[tilespmem:s26], [sflag:$0x1] =	stream.indirect_vreg.gather [hbm4b:s0+s3], $0x80, v6, vm0, $0xb8;
	[tilespmem:$0x12400] =	vst v63  }
0x56: {  	v5 =	vadd.s32 v3, v5  }
0x57: {  	[tilespmem:s16], [sflag:$0x1] =	stream.indirect_vreg.gather [hbm4b:s5+s3], $0x80, v6, vm0, $0xb8;
	[tilespmem:$0x12400] =	vst v63  }
0x58: {  	_ = 	snop  }
0x59: {  	[tilespmem:s17], [sflag:$0x1] =	stream.indirect_vreg.gather [hbm4b:s6+s3], $0x80, v6, vm0, $0xb8;
	[tilespmem:$0x12400] =	vst v63  }
0x5a: {  	_ = 	snop  }
0x5b: {  	[tilespmem:s18], [sflag:$0x1] =	stream.indirect_vreg.gather [hbm4b:s0+s3], $0x80, v5, vm0, $0xb8;
	[tilespmem:$0x12400] =	vst v63  }
0x5c: {  	_ = 	snop  }
0x5d: {  	[tilespmem:s19], [sflag:$0x1] =	stream.indirect_vreg.gather [hbm4b:s5+s3], $0x80, v5, vm0, $0xb8;
	[tilespmem:$0x12400] =	vst v63  }
0x5e: {  	_ = 	snop  }
0x5f: {  	[tilespmem:s20], [sflag:$0x1] =	stream.indirect_vreg.gather [hbm4b:s6+s3], $0x80, v5, vm0, $0xb8;
	[tilespmem:$0x12400] =	vst v63  }
0x60: {  	v5 =	vld [tilespmem:$0xB0];
	_ =	sdelay $0x4  }
0x61: {  	v6 =	vshrl.u32 v5, $0x3  }
0x62: {  	v6 =	vmul.u32 $0x30, v6  }
0x63: {  	v5 =	vand.u32 $0x7, v5  }
0x64: {  	v5 =	vor.u32 v5, v6  }
0x65: {  	v6 =	vperm.xlane v5, v2;
	_ =	sdelay $0x1  }
0x66: {  	v6 =	vadd.s32 v3, v6;
	_ =	sdelay $0x3  }
0x67: {  	v5 =	vperm.xlane v5, v4  }
0x68: {  	[tilespmem:s21], [sflag:$0x1] =	stream.indirect_vreg.gather [hbm4b:s0+s3], $0x80, v6, vm0, $0xb8;
	[tilespmem:$0x12400] =	vst v63  }
0x69: {  	v5 =	vadd.s32 v3, v5  }
0x6a: {  	[tilespmem:s22], [sflag:$0x1] =	stream.indirect_vreg.gather [hbm4b:s5+s3], $0x80, v6, vm0, $0xb8;
	[tilespmem:$0x12400] =	vst v63  }
0x6b: {  	_ = 	snop  }
0x6c: {  	[tilespmem:s24], [sflag:$0x1] =	stream.indirect_vreg.gather [hbm4b:s6+s3], $0x80, v6, vm0, $0xb8;
	[tilespmem:$0x12400] =	vst v63  }
0x6d: {  	_ = 	snop  }
0x6e: {  	[tilespmem:s25], [sflag:$0x1] =	stream.indirect_vreg.gather [hbm4b:s0+s3], $0x80, v5, vm0, $0xb8;
	[tilespmem:$0x12400] =	vst v63  }
0x6f: {  	s8 =	simm.s32 $0xB100  }
0x70: {  	[tilespmem:s8], [sflag:$0x1] =	stream.indirect_vreg.gather [hbm4b:s5+s3], $0x80, v5, vm0, $0xb8;
	[tilespmem:$0x12400] =	vst v63  }
0x71: {  	s26 =	simm.s32 $0xB900  }
0x72: {  	[tilespmem:s26], [sflag:$0x1] =	stream.indirect_vreg.gather [hbm4b:s6+s3], $0x80, v5, vm0, $0xb8;
	[tilespmem:$0x12400] =	vst v63  }
0x73: {  	v5 =	vld [tilespmem:$0xC0];
	_ =	sdelay $0x4  }
0x74: {  	v6 =	vshrl.u32 v5, $0x3  }
0x75: {  	v6 =	vmul.u32 $0x30, v6  }
0x76: {  	v5 =	vand.u32 $0x7, v5  }
0x77: {  	v5 =	vor.u32 v5, v6  }
0x78: {  	v6 =	vperm.xlane v5, v2;
	_ =	sdelay $0x1  }
0x79: {  	v6 =	vadd.s32 v3, v6;
	_ =	sdelay $0x3  }
0x7a: {  	s8 =	simm.s32 $0xC100;
	v5 =	vperm.xlane v5, v4  }
0x7b: {  	[tilespmem:s8], [sflag:$0x1] =	stream.indirect_vreg.gather [hbm4b:s0+s3], $0x80, v6, vm0, $0xb8;
	[tilespmem:$0x12400] =	vst v63  }
0x7c: {  	s26 =	simm.s32 $0xC900;
	v5 =	vadd.s32 v3, v5  }
0x7d: {  	[tilespmem:s26], [sflag:$0x1] =	stream.indirect_vreg.gather [hbm4b:s5+s3], $0x80, v6, vm0, $0xb8;
	[tilespmem:$0x12400] =	vst v63  }
0x7e: {  	s8 =	simm.s32 $0xD100  }
0x7f: {  	[tilespmem:s8], [sflag:$0x1] =	stream.indirect_vreg.gather [hbm4b:s6+s3], $0x80, v6, vm0, $0xb8;
	[tilespmem:$0x12400] =	vst v63  }
0x80: {  	s26 =	simm.s32 $0xD900  }
0x81: {  	[tilespmem:s26], [sflag:$0x1] =	stream.indirect_vreg.gather [hbm4b:s0+s3], $0x80, v5, vm0, $0xb8;
	[tilespmem:$0x12400] =	vst v63  }
0x82: {  	s8 =	simm.s32 $0xE100  }
0x83: {  	[tilespmem:s8], [sflag:$0x1] =	stream.indirect_vreg.gather [hbm4b:s5+s3], $0x80, v5, vm0, $0xb8;
	[tilespmem:$0x12400] =	vst v63  }
0x84: {  	s26 =	simm.s32 $0xE900  }
0x85: {  	[tilespmem:s26], [sflag:$0x1] =	stream.indirect_vreg.gather [hbm4b:s6+s3], $0x80, v5, vm0, $0xb8;
	[tilespmem:$0x12400] =	vst v63  }
0x86: {  	v5 =	vld [tilespmem:$0xD0];
	_ =	sdelay $0x4  }
0x87: {  	v6 =	vshrl.u32 v5, $0x3  }
0x88: {  	v6 =	vmul.u32 $0x30, v6  }
0x89: {  	v5 =	vand.u32 $0x7, v5  }
0x8a: {  	v5 =	vor.u32 v5, v6  }
0x8b: {  	v6 =	vperm.xlane v5, v2;
	_ =	sdelay $0x1  }
0x8c: {  	v6 =	vadd.s32 v3, v6;
	_ =	sdelay $0x3  }
0x8d: {  	s8 =	simm.s32 $0xF100;
	v5 =	vperm.xlane v5, v4  }
0x8e: {  	[tilespmem:s8], [sflag:$0x1] =	stream.indirect_vreg.gather [hbm4b:s0+s3], $0x80, v6, vm0, $0xb8;
	[tilespmem:$0x12400] =	vst v63  }
0x8f: {  	s26 =	simm.s32 $0xF900;
	v5 =	vadd.s32 v3, v5  }
0x90: {  	[tilespmem:s26], [sflag:$0x1] =	stream.indirect_vreg.gather [hbm4b:s5+s3], $0x80, v6, vm0, $0xb8;
	[tilespmem:$0x12400] =	vst v63  }
0x91: {  	s8 =	simm.s32 $0x10100  }
0x92: {  	[tilespmem:s8], [sflag:$0x1] =	stream.indirect_vreg.gather [hbm4b:s6+s3], $0x80, v6, vm0, $0xb8;
	[tilespmem:$0x12400] =	vst v63  }
0x93: {  	s26 =	simm.s32 $0x10900  }
0x94: {  	[tilespmem:s26], [sflag:$0x1] =	stream.indirect_vreg.gather [hbm4b:s0+s3], $0x80, v5, vm0, $0xb8;
	[tilespmem:$0x12400] =	vst v63  }
0x95: {  	s8 =	simm.s32 $0x11100  }
0x96: {  	[tilespmem:s8], [sflag:$0x1] =	stream.indirect_vreg.gather [hbm4b:s5+s3], $0x80, v5, vm0, $0xb8;
	[tilespmem:$0x12400] =	vst v63  }
0x97: {  	s26 =	simm.s32 $0x11900  }
0x98: {  	[tilespmem:s26], [sflag:$0x1] =	stream.indirect_vreg.gather [hbm4b:s6+s3], $0x80, v5, vm0, $0xb8;
	[tilespmem:$0x12400] =	vst v63  }
0x99: {  	_ =	swait.ge [sflag:s23], $0x12000  }
0x9a: {  	[sflag:s23] =	ssyncset.done $0x0  }
0x9b: {  	s2 =	rddreg [dreg:$0x7];
	[sflag:s23] =	ssyncadd.s32 $0xFFFEE000  }
0x9c: {  	[hbm4b:s2+s3] =	stream.linear.scatter [tilespmem:s1], [sflag:$0x2], $0x12000, $0x38;
	[tilespmem:$0x12400] =	vst v63  }
0x9d: {  	_ =	swait.ge [sflag:s9], $0x12000  }
0x9e: {  	s8 =	simm.s32 $0x12100;
	[sflag:s9] =	ssyncset.done $0x0  }
0x9f: {  	s2 =	simm.s32 $0x80;
	s26 =	rddreg [dreg:$0x8];
	[sflag:s9] =	ssyncadd.s32 $0xFFFEE000  }
0xa0: {  	[hbm4b:s26+s2] =	stream.strided.scatter [tilespmem:s8], [sflag:$0x2], $0x300, s4, s2, $0x38;
	[tilespmem:$0x12400] =	vst v63  }
0xa1: {  	_ =	swait.ge [sflag:s9], $0x300  }
0xa2: {  	[sflag:s9] =	ssyncset.done $0x0  }
0xa3: {  	s8 =	rddreg [dreg:$0x9];
	[sflag:s9] =	ssyncadd.s32 $0xFFFFFD00  }
0xa4: {  	[tilespmem:s3], [sflag:$0x2] =	stream.linear.gather [hbm4b:s8+s3], $0x60, $0x38;
	[tilespmem:$0x12400] =	vst v63  }
0xa5: {  	_ =	swait.ge [sflag:s9], $0x60  }
0xa6: {  	[sflag:s9] =	ssyncset.done $0x0  }
0xa7: {  	[sflag:s9] =	ssyncadd.s32 $0xFFFFFFA0  }
0xa8: {  	v5 =	vld [tilespmem:$0x0];
	_ =	sdelay $0x4  }
0xa9: {  	v6 =	vadd.s32 v1, v5  }
0xaa: {  	v7 =	vld [tilespmem:$0x10];
	v58 =	vshrl.u32 v6, $0x3  }
0xab: {  	v59 =	vld [tilespmem:$0x20];
	v8 =	vmul.u32 $0x30, v58  }
0xac: {  	v60 =	vld [tilespmem:$0x30];
	v5 =	vand.u32 $0x7, v5  }
0xad: {  	v61 =	vld [tilespmem:$0x40];
	v5 =	vor.u32 v5, v8  }
0xae: {  	v62 =	vld [tilespmem:$0x50];
	v63 =	vperm.xlane v5, v2  }
0xaf: {  	[tilespmem:$0x80] =	vst v6;
	v6 =	vadd.s32 v1, v7  }
0xb0: {  	[tilespmem:$0x90] =	vst v6;
	v6 =	vadd.s32 v1, v59;
	v7 =	vadd.s32 v3, v63  }
0xb1: {  	[tilespmem:$0xA0] =	vst v6;
	v6 =	vadd.s32 v1, v60  }
0xb2: {  	[tilespmem:$0xB0] =	vst v6;
	v6 =	vadd.s32 v1, v61  }
0xb3: {  	[tilespmem:$0xC0] =	vst v6;
	v6 =	vadd.s32 v1, v62  }
0xb4: {  	v5 =	vperm.xlane v5, v4;
	[tilespmem:$0xD0] =	vst v6  }
0xb5: {  	[tilespmem:s1], [sflag:$0x1] =	stream.indirect_vreg.gather [hbm4b:s0+s3], $0x80, v7, vm0, $0xb8;
	[tilespmem:$0x12400] =	vst v63  }
0xb6: {  	v5 =	vadd.s32 v3, v5  }
0xb7: {  	[tilespmem:s28], [sflag:$0x1] =	stream.indirect_vreg.gather [hbm4b:s5+s3], $0x80, v7, vm0, $0xb8;
	[tilespmem:$0x12400] =	vst v63  }
0xb8: {  	_ = 	snop  }
0xb9: {  	[tilespmem:s29], [sflag:$0x1] =	stream.indirect_vreg.gather [hbm4b:s6+s3], $0x80, v7, vm0, $0xb8;
	[tilespmem:$0x12400] =	vst v63  }
0xba: {  	_ = 	snop  }
0xbb: {  	[tilespmem:s30], [sflag:$0x1] =	stream.indirect_vreg.gather [hbm4b:s0+s3], $0x80, v5, vm0, $0xb8;
	[tilespmem:$0x12400] =	vst v63  }
0xbc: {  	_ = 	snop  }
0xbd: {  	[tilespmem:s31], [sflag:$0x1] =	stream.indirect_vreg.gather [hbm4b:s5+s3], $0x80, v5, vm0, $0xb8;
	[tilespmem:$0x12400] =	vst v63  }
0xbe: {  	s26 =	simm.s32 $0x2900  }
0xbf: {  	[tilespmem:s26], [sflag:$0x1] =	stream.indirect_vreg.gather [hbm4b:s6+s3], $0x80, v5, vm0, $0xb8;
	[tilespmem:$0x12400] =	vst v63  }
0xc0: {  	v5 =	vld [tilespmem:$0x90];
	_ =	sdelay $0x4  }
0xc1: {  	v6 =	vshrl.u32 v5, $0x3  }
0xc2: {  	v6 =	vmul.u32 $0x30, v6  }
0xc3: {  	v5 =	vand.u32 $0x7, v5  }
0xc4: {  	v5 =	vor.u32 v5, v6  }
0xc5: {  	v6 =	vperm.xlane v5, v2;
	_ =	sdelay $0x1  }
0xc6: {  	v6 =	vadd.s32 v3, v6;
	_ =	sdelay $0x3  }
0xc7: {  	v5 =	vperm.xlane v5, v4  }
0xc8: {  	[tilespmem:s10], [sflag:$0x1] =	stream.indirect_vreg.gather [hbm4b:s0+s3], $0x80, v6, vm0, $0xb8;
	[tilespmem:$0x12400] =	vst v63  }
0xc9: {  	v5 =	vadd.s32 v3, v5  }
0xca: {  	[tilespmem:s11], [sflag:$0x1] =	stream.indirect_vreg.gather [hbm4b:s5+s3], $0x80, v6, vm0, $0xb8;
	[tilespmem:$0x12400] =	vst v63  }
0xcb: {  	_ = 	snop  }
0xcc: {  	[tilespmem:s12], [sflag:$0x1] =	stream.indirect_vreg.gather [hbm4b:s6+s3], $0x80, v6, vm0, $0xb8;
	[tilespmem:$0x12400] =	vst v63  }
0xcd: {  	_ = 	snop  }
0xce: {  	[tilespmem:s13], [sflag:$0x1] =	stream.indirect_vreg.gather [hbm4b:s0+s3], $0x80, v5, vm0, $0xb8;
	[tilespmem:$0x12400] =	vst v63  }
0xcf: {  	_ = 	snop  }
0xd0: {  	[tilespmem:s14], [sflag:$0x1] =	stream.indirect_vreg.gather [hbm4b:s5+s3], $0x80, v5, vm0, $0xb8;
	[tilespmem:$0x12400] =	vst v63  }
0xd1: {  	_ = 	snop  }
0xd2: {  	[tilespmem:s15], [sflag:$0x1] =	stream.indirect_vreg.gather [hbm4b:s6+s3], $0x80, v5, vm0, $0xb8;
	[tilespmem:$0x12400] =	vst v63  }
0xd3: {  	v5 =	vld [tilespmem:$0xA0];
	_ =	sdelay $0x4  }
0xd4: {  	v6 =	vshrl.u32 v5, $0x3  }
0xd5: {  	v6 =	vmul.u32 $0x30, v6  }
0xd6: {  	v5 =	vand.u32 $0x7, v5  }
0xd7: {  	v5 =	vor.u32 v5, v6  }
0xd8: {  	v6 =	vperm.xlane v5, v2;
	_ =	sdelay $0x1  }
0xd9: {  	v6 =	vadd.s32 v3, v6;
	_ =	sdelay $0x3  }
0xda: {  	s26 =	simm.s32 $0x6100;
	v5 =	vperm.xlane v5, v4  }
0xdb: {  	[tilespmem:s26], [sflag:$0x1] =	stream.indirect_vreg.gather [hbm4b:s0+s3], $0x80, v6, vm0, $0xb8;
	[tilespmem:$0x12400] =	vst v63  }
0xdc: {  	v5 =	vadd.s32 v3, v5  }
0xdd: {  	[tilespmem:s16], [sflag:$0x1] =	stream.indirect_vreg.gather [hbm4b:s5+s3], $0x80, v6, vm0, $0xb8;
	[tilespmem:$0x12400] =	vst v63  }
0xde: {  	_ = 	snop  }
0xdf: {  	[tilespmem:s17], [sflag:$0x1] =	stream.indirect_vreg.gather [hbm4b:s6+s3], $0x80, v6, vm0, $0xb8;
	[tilespmem:$0x12400] =	vst v63  }
0xe0: {  	_ = 	snop  }
0xe1: {  	[tilespmem:s18], [sflag:$0x1] =	stream.indirect_vreg.gather [hbm4b:s0+s3], $0x80, v5, vm0, $0xb8;
	[tilespmem:$0x12400] =	vst v63  }
0xe2: {  	_ = 	snop  }
0xe3: {  	[tilespmem:s19], [sflag:$0x1] =	stream.indirect_vreg.gather [hbm4b:s5+s3], $0x80, v5, vm0, $0xb8;
	[tilespmem:$0x12400] =	vst v63  }
0xe4: {  	_ = 	snop  }
0xe5: {  	[tilespmem:s20], [sflag:$0x1] =	stream.indirect_vreg.gather [hbm4b:s6+s3], $0x80, v5, vm0, $0xb8;
	[tilespmem:$0x12400] =	vst v63  }
0xe6: {  	v5 =	vld [tilespmem:$0xB0];
	_ =	sdelay $0x4  }
0xe7: {  	v6 =	vshrl.u32 v5, $0x3  }
0xe8: {  	v6 =	vmul.u32 $0x30, v6  }
0xe9: {  	v5 =	vand.u32 $0x7, v5  }
0xea: {  	v5 =	vor.u32 v5, v6  }
0xeb: {  	v6 =	vperm.xlane v5, v2;
	_ =	sdelay $0x1  }
0xec: {  	v6 =	vadd.s32 v3, v6;
	_ =	sdelay $0x3  }
0xed: {  	v5 =	vperm.xlane v5, v4  }
0xee: {  	[tilespmem:s21], [sflag:$0x1] =	stream.indirect_vreg.gather [hbm4b:s0+s3], $0x80, v6, vm0, $0xb8;
	[tilespmem:$0x12400] =	vst v63  }
0xef: {  	v5 =	vadd.s32 v3, v5  }
0xf0: {  	[tilespmem:s22], [sflag:$0x1] =	stream.indirect_vreg.gather [hbm4b:s5+s3], $0x80, v6, vm0, $0xb8;
	[tilespmem:$0x12400] =	vst v63  }
0xf1: {  	_ = 	snop  }
0xf2: {  	[tilespmem:s24], [sflag:$0x1] =	stream.indirect_vreg.gather [hbm4b:s6+s3], $0x80, v6, vm0, $0xb8;
	[tilespmem:$0x12400] =	vst v63  }
0xf3: {  	_ = 	snop  }
0xf4: {  	[tilespmem:s25], [sflag:$0x1] =	stream.indirect_vreg.gather [hbm4b:s0+s3], $0x80, v5, vm0, $0xb8;
	[tilespmem:$0x12400] =	vst v63  }
0xf5: {  	s26 =	simm.s32 $0xB100  }
0xf6: {  	[tilespmem:s26], [sflag:$0x1] =	stream.indirect_vreg.gather [hbm4b:s5+s3], $0x80, v5, vm0, $0xb8;
	[tilespmem:$0x12400] =	vst v63  }
0xf7: {  	s26 =	simm.s32 $0xB900  }
0xf8: {  	[tilespmem:s26], [sflag:$0x1] =	stream.indirect_vreg.gather [hbm4b:s6+s3], $0x80, v5, vm0, $0xb8;
	[tilespmem:$0x12400] =	vst v63  }
0xf9: {  	v5 =	vld [tilespmem:$0xC0];
	_ =	sdelay $0x4  }
0xfa: {  	v6 =	vshrl.u32 v5, $0x3  }
0xfb: {  	v6 =	vmul.u32 $0x30, v6  }
0xfc: {  	v5 =	vand.u32 $0x7, v5  }
0xfd: {  	v5 =	vor.u32 v5, v6  }
0xfe: {  	v6 =	vperm.xlane v5, v2;
	_ =	sdelay $0x1  }
0xff: {  	v6 =	vadd.s32 v3, v6;
	_ =	sdelay $0x3  }
0x100: {  	s26 =	simm.s32 $0xC100;
	v5 =	vperm.xlane v5, v4  }
0x101: {  	[tilespmem:s26], [sflag:$0x1] =	stream.indirect_vreg.gather [hbm4b:s0+s3], $0x80, v6, vm0, $0xb8;
	[tilespmem:$0x12400] =	vst v63  }
0x102: {  	v5 =	vadd.s32 v3, v5;
	s26 =	simm.s32 $0xC900  }
0x103: {  	[tilespmem:s26], [sflag:$0x1] =	stream.indirect_vreg.gather [hbm4b:s5+s3], $0x80, v6, vm0, $0xb8;
	[tilespmem:$0x12400] =	vst v63  }
0x104: {  	s26 =	simm.s32 $0xD100  }
0x105: {  	[tilespmem:s26], [sflag:$0x1] =	stream.indirect_vreg.gather [hbm4b:s6+s3], $0x80, v6, vm0, $0xb8;
	[tilespmem:$0x12400] =	vst v63  }
0x106: {  	s26 =	simm.s32 $0xD900  }
0x107: {  	[tilespmem:s26], [sflag:$0x1] =	stream.indirect_vreg.gather [hbm4b:s0+s3], $0x80, v5, vm0, $0xb8;
	[tilespmem:$0x12400] =	vst v63  }
0x108: {  	s26 =	simm.s32 $0xE100  }
0x109: {  	[tilespmem:s26], [sflag:$0x1] =	stream.indirect_vreg.gather [hbm4b:s5+s3], $0x80, v5, vm0, $0xb8;
	[tilespmem:$0x12400] =	vst v63  }
0x10a: {  	s26 =	simm.s32 $0xE900  }
0x10b: {  	[tilespmem:s26], [sflag:$0x1] =	stream.indirect_vreg.gather [hbm4b:s6+s3], $0x80, v5, vm0, $0xb8;
	[tilespmem:$0x12400] =	vst v63  }
0x10c: {  	v5 =	vld [tilespmem:$0xD0];
	_ =	sdelay $0x4  }
0x10d: {  	v6 =	vshrl.u32 v5, $0x3  }
0x10e: {  	v6 =	vmul.u32 $0x30, v6  }
0x10f: {  	v5 =	vand.u32 $0x7, v5  }
0x110: {  	v5 =	vor.u32 v5, v6  }
0x111: {  	v6 =	vperm.xlane v5, v2;
	_ =	sdelay $0x1  }
0x112: {  	v6 =	vadd.s32 v3, v6;
	_ =	sdelay $0x3  }
0x113: {  	s26 =	simm.s32 $0xF100;
	v5 =	vperm.xlane v5, v4  }
0x114: {  	[tilespmem:s26], [sflag:$0x1] =	stream.indirect_vreg.gather [hbm4b:s0+s3], $0x80, v6, vm0, $0xb8;
	[tilespmem:$0x12400] =	vst v63  }
0x115: {  	v5 =	vadd.s32 v3, v5;
	s26 =	simm.s32 $0xF900  }
0x116: {  	[tilespmem:s26], [sflag:$0x1] =	stream.indirect_vreg.gather [hbm4b:s5+s3], $0x80, v6, vm0, $0xb8;
	[tilespmem:$0x12400] =	vst v63  }
0x117: {  	s26 =	simm.s32 $0x10100  }
0x118: {  	[tilespmem:s26], [sflag:$0x1] =	stream.indirect_vreg.gather [hbm4b:s6+s3], $0x80, v6, vm0, $0xb8;
	[tilespmem:$0x12400] =	vst v63  }
0x119: {  	s26 =	simm.s32 $0x10900  }
0x11a: {  	[tilespmem:s26], [sflag:$0x1] =	stream.indirect_vreg.gather [hbm4b:s0+s3], $0x80, v5, vm0, $0xb8;
	[tilespmem:$0x12400] =	vst v63  }
0x11b: {  	s26 =	simm.s32 $0x11100  }
0x11c: {  	[tilespmem:s26], [sflag:$0x1] =	stream.indirect_vreg.gather [hbm4b:s5+s3], $0x80, v5, vm0, $0xb8;
	[tilespmem:$0x12400] =	vst v63  }
0x11d: {  	s26 =	simm.s32 $0x11900  }
0x11e: {  	[tilespmem:s26], [sflag:$0x1] =	stream.indirect_vreg.gather [hbm4b:s6+s3], $0x80, v5, vm0, $0xb8;
	[tilespmem:$0x12400] =	vst v63  }
0x11f: {  	_ =	swait.ge [sflag:s23], $0x12000  }
0x120: {  	[sflag:s23] =	ssyncset.done $0x0  }
0x121: {  	s8 =	rddreg [dreg:$0xb];
	[sflag:s23] =	ssyncadd.s32 $0xFFFEE000  }
0x122: {  	[hbm4b:s8+s3] =	stream.linear.scatter [tilespmem:s1], [sflag:$0x2], $0x12000, $0x38;
	[tilespmem:$0x12400] =	vst v63  }
0x123: {  	_ =	swait.ge [sflag:s9], $0x12000  }
0x124: {  	p0 =	sne.s32 s7, $0x1;
	s8 =	simm.s32 $0x12100;
	[sflag:s9] =	ssyncset.done $0x0  }
.Ltmp0:
0x125: {  	s1 =	rddreg [dreg:$0xa];
	[sflag:s9] =	ssyncadd.s32 $0xFFFEE000;
	(pc) =	sbr.rel @p0 .LBB2_1-.Ltmp0, $4  }
0x126: {  	[hbm4b:s1+s2] =	stream.strided.scatter [tilespmem:s8], [sflag:$0x2], $0x300, s4, s2, $0x38;
	[tilespmem:$0x12400] =	vst v63  }
0x127: {  	_ =	swait.ge [sflag:s9], $0x300  }
0x128: {  	[sflag:s9] =	ssyncset.done $0x0  }
0x129: {  	s7 =	sadd.s32 $0xFFFFFFFF, s7;
	[sflag:s9] =	ssyncadd.s32 $0xFFFFFD00  }
0x12a: {  	_ =	sfence.sel $0x180000  }
0x12b: {  	[bflag:$0x0] =	sbarrier.arrive $0xFFFF  }
0x12c: {  	_ =	strace $0x90000047  }
0x12d: {  	s0 =	stileid.u32;
	[bflag:$0x2] =	sbarrier.arrive $0xFFFF  }
0x12e: {  	p0 =	sne.s32 s0, $0x0;
	s0 =	rddreg [dreg:$0x4]  }
0x12f: {  	s0 =	sadd.s32 @!p0 $0x100000, s0  }
0x130: {  	[sflag:s0] =	ssyncadd.tile.s32 @!p0 $0x1;
	_ =	shalt  }
.Lfunc_end2:
_tile_overlayer_lowered:
.L_overlay_start_2:
0x131: {  	(tag) =	ssettag $0x2  }
0x132: {  	s0 =	rddreg [dreg:$0x0];
	s2 =	stileid.u32  }
0x133: {  	s1 =	rddreg [dreg:$0x1];
	p0 =	sne.s32 s2, $0x0  }
0x134: {  	s3 =	rddreg [dreg:$0x2];
	[bflag:$0x3] =	sbarrier.arrive $0xFFFF;
	s2 =	simm.s32 @!p0 $0x1C02  }
0x135: {  	[timem:s3], [sflag:s2] =	dma.local @!p0 [hbm:s0], s1  }
0x136: {  	s0 =	simm.s32 @!p0 $0x2  }
0x137: {  	_ =	swait.ge @!p0 [sflag:s0], s1  }
0x138: {  	s1 =	ssub.s32 @!p0 $0x0, s1;
	[sflag:s0] =	ssyncset.done @!p0 $0x0  }
0x139: {  	[sflag:s0] =	ssyncadd.s32 @!p0 s1  }
0x13a: {  	[bflag:$0x3] =	sbarrier.arrive $0xFFFF  }
0x13b: {  	_ =	shalt  }

</sc_bundles>
